<compile_context>
chip_gen: v7x
topology: tpu7x:2x2x1
jax: 0.10.2.dev20260603
libtpu: 0.0.44.dev20260713+nightly
codegen_flags: <defaults>
</compile_context>

<pallas_src>
import jax
import jax.numpy as jnp
from jax import lax
from jax.experimental import pallas as pl
from jax.experimental.pallas import tpu as pltpu
from jax.experimental.pallas import tpu_sc as plsc

_N, _D = 1_000_000, 64
_Q = 249_984
_CC = 3_968
_NCH = _Q // _CC
_TAIL0 = 999_936


def _sc_body(x_hbm, o_hbm, in_buf, out_buf, in_sem, out_sem):
    wid = lax.axis_index("s") * 2 + lax.axis_index("c")
    r8 = lax.rem(wid, 8) * 8
    q = lax.div(wid, 8)
    col0 = q * _Q

    def in_copy(g, b):
        c = pl.multiple_of(col0 + g * _CC, 128)
        src = x_hbm.at[pl.ds(pl.multiple_of(r8, 8), 8), pl.ds(c, _CC)]
        return pltpu.make_async_copy(src, in_buf.at[b], in_sem.at[b])

    def out_copy(g, b):
        c = pl.multiple_of(col0 + g * _CC, 128)
        dst = o_hbm.at[pl.ds(pl.multiple_of(r8, 8), 8), pl.ds(c, _CC)]
        return pltpu.make_async_copy(out_buf.at[b], dst, out_sem.at[b])

    in_copy(0, 0).start()
    in_copy(1, 1).start()

    def chunk_body(g, _):
        b = lax.rem(g, 2)
        in_copy(g, b).wait()

        @pl.when(g >= 2)
        def _wait_prev_out():
            out_copy(g - 2, b).wait()

        def grp_body(j, _):
            for r in range(8):
                v = in_buf[b, r, pl.ds(16 * j, 16)]
                out_buf[b, r, pl.ds(16 * j, 16)] = v + 1.0
            return ()

        lax.fori_loop(0, _CC // 16, grp_body, (), unroll=2)

        @pl.when(jnp.logical_and(q == 0, g == 0))
        def _fix_col1():
            lane = lax.iota(jnp.int32, 16)
            for r in range(8):
                v = out_buf[0, r, pl.ds(0, 16)]
                out_buf[0, r, pl.ds(0, 16)] = jnp.where(
                    lane == 1, jnp.float32(2.0), v)

        out_copy(g, b).start()

        @pl.when(g + 2 < _NCH)
        def _start_next_in():
            in_copy(g + 2, b).start()

        return ()

    lax.fori_loop(0, _NCH, chunk_body, ())
    out_copy(_NCH - 2, lax.rem(_NCH - 2, 2)).wait()
    out_copy(_NCH - 1, lax.rem(_NCH - 1, 2)).wait()


@jax.jit
def _sc_add_one_t(xt):
    mesh = plsc.VectorSubcoreMesh(core_axis_name="c", subcore_axis_name="s")
    return pl.kernel(
        _sc_body,
        out_type=jax.ShapeDtypeStruct((_D, _N), jnp.float32),
        mesh=mesh,
        scratch_types=[
            pltpu.VMEM((2, 8, _CC), jnp.float32),
            pltpu.VMEM((2, 8, _CC), jnp.float32),
            pltpu.SemaphoreType.DMA((2,)),
            pltpu.SemaphoreType.DMA((2,)),
        ],
    )(xt)


def kernel(x):
    xt = x.T
    out_t = _sc_add_one_t(xt)
    tail = lax.slice(xt, (0, _TAIL0), (_D, _N))
    out_t = lax.dynamic_update_slice(out_t, tail + 1.0, (0, _TAIL0))
    return out_t.T

# --- scband reference (transcript-rebuilt; emitter-appended) ---
"""Pipeline reference for scband-idx-model-scatter-11879879542657 (READ-ONLY COPY).

The authoritative reference and input builder live on the scoring server;
editing this copy changes nothing except your own understanding.
"""

import jax, jax.numpy as jnp
import numpy as np


def setup_inputs(seed: int = 0) -> dict:
    key = jax.random.key(seed)
    x = jax.random.normal(key, (1000000, 64), dtype=jnp.float32)
    return {"x": x}


def reference(x):
    # b = torch.ones(x.shape[1:])
    b = jnp.ones(x.shape[1:], dtype=x.dtype)
    # idx = [1] expanded over x.shape[1:], unsqueezed -> scatter_ along dim 0
    # overwrites row 1 of x with ones
    x = x.at[1].set(b)
    # x += 1.0
    x = x + 1.0
    return x

if __name__ == "__main__":
    import jax
    _d = setup_inputs()
    print(jax.jit(kernel)(*tuple(_d.values())))

</pallas_src>

<mosaic_0001>
#map = affine_map<(d0, d1) -> (0, 0)>
module attributes {stable_mosaic.version = 14 : i64} {
  func.func @_sc_body(%arg0: i32, %arg1: i32, %arg2: memref<64x1000000xf32, #tpu.memory_space<hbm>>, %arg3: memref<64x1000000xf32, #tpu.memory_space<hbm>>, %arg4: memref<2x8x3968xf32, #tpu.memory_space<vmem>>, %arg5: memref<2x8x3968xf32, #tpu.memory_space<vmem>>, %arg6: memref<2x!tpu.dma_semaphore, #tpu.memory_space<semaphore_mem>>, %arg7: memref<2x!tpu.dma_semaphore, #tpu.memory_space<semaphore_mem>>) attributes {dimension_semantics = [#tpu.dimension_semantics<core_parallel>, #tpu.dimension_semantics<subcore_parallel>], iteration_bounds = array<i64: 2, 16>, scalar_prefetch = 0 : i64, scratch_operands = 4 : i64, tpu.core_type = #tpu.core_type<sc_vector_subcore>, window_params = [{transform_indices = #map}, {transform_indices = #map}]} {
    %mul3A = arith.constant 2 : i32
    %mul3A_0 = arith.muli %arg1, %mul3A : i32
    %add3A = arith.addi %mul3A_0, %arg0 : i32
    %rem3A = arith.constant 8 : i32
    %rem3A_1 = arith.remsi %add3A, %rem3A : i32
    %mul3A_2 = arith.constant 8 : i32
    %mul3A_3 = arith.muli %rem3A_1, %mul3A_2 : i32
    %div3A = arith.constant 8 : i32
    %div3A_4 = arith.divsi %add3A, %div3A : i32
    %mul3A_5 = arith.constant 249984 : i32
    %mul3A_6 = arith.muli %div3A_4, %mul3A_5 : i32
    %add3A_7 = arith.constant 0 : i32
    %add3A_8 = arith.addi %mul3A_6, %add3A_7 : i32
    %multiple_of3A = tpu.assume_multiple %add3A_8, 128 : i32
    %multiple_of3A_9 = tpu.assume_multiple %mul3A_3, 8 : i32
    %dma_start3A = arith.constant 0 : i32
    %dma_start3A_10 = arith.constant 0 : i32
    %dma_start3A_11 = arith.constant 0 : i32
    %dma_start3A_12 = arith.constant 0 : i32
    %dma_start3A_13 = tpu.memref_slice %arg4[%dma_start3A, %dma_start3A_11, %dma_start3A_12] : memref<2x8x3968xf32, #tpu.memory_space<vmem>> -> memref<1x8x3968xf32, #tpu.memory_space<vmem>>
    %dma_start3A_14 = tpu.memref_squeeze %dma_start3A_13 : memref<1x8x3968xf32, #tpu.memory_space<vmem>> -> memref<8x3968xf32, #tpu.memory_space<vmem>>
    %dma_start3A_15 = tpu.memref_slice %arg2[%multiple_of3A_9, %multiple_of3A] : memref<64x1000000xf32, #tpu.memory_space<hbm>> -> memref<8x3968xf32, #tpu.memory_space<hbm>>
    %dma_start3A_16 = tpu.memref_slice %arg6[%dma_start3A_10] : memref<2x!tpu.dma_semaphore, #tpu.memory_space<semaphore_mem>> -> memref<1x!tpu.dma_semaphore, #tpu.memory_space<semaphore_mem>>
    %dma_start3A_17 = tpu.memref_squeeze %dma_start3A_16 : memref<1x!tpu.dma_semaphore, #tpu.memory_space<semaphore_mem>> -> memref<!tpu.dma_semaphore, #tpu.memory_space<semaphore_mem>>
    %dma_start3A_18 = arith.constant 0 : i32
    %dma_start3A_19 = arith.constant 0 : i32
    %dma_start3A_20 = tpu.memref_slice %arg4[%dma_start3A, %dma_start3A_18, %dma_start3A_19] : memref<2x8x3968xf32, #tpu.memory_space<vmem>> -> memref<1x8x3968xf32, #tpu.memory_space<vmem>>
    %dma_start3A_21 = tpu.memref_squeeze %dma_start3A_20 : memref<1x8x3968xf32, #tpu.memory_space<vmem>> -> memref<8x3968xf32, #tpu.memory_space<vmem>>
    %dma_start3A_22 = tpu.memref_slice %arg2[%multiple_of3A_9, %multiple_of3A] : memref<64x1000000xf32, #tpu.memory_space<hbm>> -> memref<8x3968xf32, #tpu.memory_space<hbm>>
    tpu.enqueue_dma source(%dma_start3A_22 : memref<8x3968xf32, #tpu.memory_space<hbm>>) target(%dma_start3A_21 : memref<8x3968xf32, #tpu.memory_space<vmem>>) target_semaphore(%dma_start3A_17 : memref<!tpu.dma_semaphore, #tpu.memory_space<semaphore_mem>>)
    %add3A_23 = arith.constant 3968 : i32
    %add3A_24 = arith.addi %mul3A_6, %add3A_23 : i32
    %multiple_of3A_25 = tpu.assume_multiple %add3A_24, 128 : i32
    %multiple_of3A_26 = tpu.assume_multiple %mul3A_3, 8 : i32
    %dma_start3A_27 = arith.constant 1 : i32
    %dma_start3A_28 = arith.constant 1 : i32
    %dma_start3A_29 = arith.constant 0 : i32
    %dma_start3A_30 = arith.constant 0 : i32
    %dma_start3A_31 = tpu.memref_slice %arg4[%dma_start3A_27, %dma_start3A_29, %dma_start3A_30] : memref<2x8x3968xf32, #tpu.memory_space<vmem>> -> memref<1x8x3968xf32, #tpu.memory_space<vmem>>
    %dma_start3A_32 = tpu.memref_squeeze %dma_start3A_31 : memref<1x8x3968xf32, #tpu.memory_space<vmem>> -> memref<8x3968xf32, #tpu.memory_space<vmem>>
    %dma_start3A_33 = tpu.memref_slice %arg2[%multiple_of3A_26, %multiple_of3A_25] : memref<64x1000000xf32, #tpu.memory_space<hbm>> -> memref<8x3968xf32, #tpu.memory_space<hbm>>
    %dma_start3A_34 = tpu.memref_slice %arg6[%dma_start3A_28] : memref<2x!tpu.dma_semaphore, #tpu.memory_space<semaphore_mem>> -> memref<1x!tpu.dma_semaphore, #tpu.memory_space<semaphore_mem>>
    %dma_start3A_35 = tpu.memref_squeeze %dma_start3A_34 : memref<1x!tpu.dma_semaphore, #tpu.memory_space<semaphore_mem>> -> memref<!tpu.dma_semaphore, #tpu.memory_space<semaphore_mem>>
    %dma_start3A_36 = arith.constant 0 : i32
    %dma_start3A_37 = arith.constant 0 : i32
    %dma_start3A_38 = tpu.memref_slice %arg4[%dma_start3A_27, %dma_start3A_36, %dma_start3A_37] : memref<2x8x3968xf32, #tpu.memory_space<vmem>> -> memref<1x8x3968xf32, #tpu.memory_space<vmem>>
    %dma_start3A_39 = tpu.memref_squeeze %dma_start3A_38 : memref<1x8x3968xf32, #tpu.memory_space<vmem>> -> memref<8x3968xf32, #tpu.memory_space<vmem>>
    %dma_start3A_40 = tpu.memref_slice %arg2[%multiple_of3A_26, %multiple_of3A_25] : memref<64x1000000xf32, #tpu.memory_space<hbm>> -> memref<8x3968xf32, #tpu.memory_space<hbm>>
    tpu.enqueue_dma source(%dma_start3A_40 : memref<8x3968xf32, #tpu.memory_space<hbm>>) target(%dma_start3A_39 : memref<8x3968xf32, #tpu.memory_space<vmem>>) target_semaphore(%dma_start3A_35 : memref<!tpu.dma_semaphore, #tpu.memory_space<semaphore_mem>>)
    %scan3A = arith.constant 0 : i32
    %scan3A_41 = arith.constant 63 : i32
    %scan3A_42 = arith.addi %scan3A, %scan3A_41 : i32
    %scan3A_43 = arith.constant 1 : i32
    scf.for %scan3A_82 = %scan3A to %scan3A_42 step %scan3A_43  : i32 {
      %rem3A_83 = arith.constant 2 : i32
      %rem3A_84 = arith.remsi %scan3A_82, %rem3A_83 : i32
      %mul3A_85 = arith.constant 3968 : i32
      %mul3A_86 = arith.muli %scan3A_82, %mul3A_85 : i32
      %add3A_87 = arith.addi %mul3A_6, %mul3A_86 : i32
      %multiple_of3A_88 = tpu.assume_multiple %add3A_87, 128 : i32
      %multiple_of3A_89 = tpu.assume_multiple %mul3A_3, 8 : i32
      %dma_wait3A_90 = arith.constant 0 : i32
      %dma_wait3A_91 = arith.constant 0 : i32
      %dma_wait3A_92 = tpu.memref_slice %arg4[%rem3A_84, %dma_wait3A_90, %dma_wait3A_91] : memref<2x8x3968xf32, #tpu.memory_space<vmem>> -> memref<1x8x3968xf32, #tpu.memory_space<vmem>>
      %dma_wait3A_93 = tpu.memref_squeeze %dma_wait3A_92 : memref<1x8x3968xf32, #tpu.memory_space<vmem>> -> memref<8x3968xf32, #tpu.memory_space<vmem>>
      %dma_wait3A_94 = tpu.memref_slice %arg2[%multiple_of3A_89, %multiple_of3A_88] : memref<64x1000000xf32, #tpu.memory_space<hbm>> -> memref<8x3968xf32, #tpu.memory_space<hbm>>
      %dma_wait3A_95 = tpu.memref_slice %arg6[%rem3A_84] : memref<2x!tpu.dma_semaphore, #tpu.memory_space<semaphore_mem>> -> memref<1x!tpu.dma_semaphore, #tpu.memory_space<semaphore_mem>>
      %dma_wait3A_96 = tpu.memref_squeeze %dma_wait3A_95 : memref<1x!tpu.dma_semaphore, #tpu.memory_space<semaphore_mem>> -> memref<!tpu.dma_semaphore, #tpu.memory_space<semaphore_mem>>
      %dma_wait3A_97 = arith.constant 0 : i32
      %dma_wait3A_98 = arith.constant 0 : i32
      %dma_wait3A_99 = tpu.memref_slice %arg4[%rem3A_84, %dma_wait3A_97, %dma_wait3A_98] : memref<2x8x3968xf32, #tpu.memory_space<vmem>> -> memref<1x8x3968xf32, #tpu.memory_space<vmem>>
      %dma_wait3A_100 = tpu.memref_squeeze %dma_wait3A_99 : memref<1x8x3968xf32, #tpu.memory_space<vmem>> -> memref<8x3968xf32, #tpu.memory_space<vmem>>
      %dma_wait3A_101 = tpu.memref_slice %arg2[%multiple_of3A_89, %multiple_of3A_88] : memref<64x1000000xf32, #tpu.memory_space<hbm>> -> memref<8x3968xf32, #tpu.memory_space<hbm>>
      tpu.wait_dma2 semaphore(%dma_wait3A_96 : memref<!tpu.dma_semaphore, #tpu.memory_space<semaphore_mem>>) src(%dma_wait3A_101 : memref<8x3968xf32, #tpu.memory_space<hbm>>) dst(%dma_wait3A_100 : memref<8x3968xf32, #tpu.memory_space<vmem>>)
      %ge3A = arith.constant 2 : i32
      %ge3A_102 = arith.cmpi sge, %scan3A_82, %ge3A : i32
      %convert_element_type3A = arith.extui %ge3A_102 : i1 to i32
      %cond3A = arith.constant 0 : i32
      %cond3A_103 = arith.cmpi ne, %convert_element_type3A, %cond3A : i32
      scf.if %cond3A_103 {
        %sub3A = arith.constant 2 : i32
        %sub3A_138 = arith.subi %scan3A_82, %sub3A : i32
        %mul3A_139 = arith.constant 3968 : i32
        %mul3A_140 = arith.muli %sub3A_138, %mul3A_139 : i32
        %add3A_141 = arith.addi %mul3A_6, %mul3A_140 : i32
        %multiple_of3A_142 = tpu.assume_multiple %add3A_141, 128 : i32
        %multiple_of3A_143 = tpu.assume_multiple %mul3A_3, 8 : i32
        %dma_wait3A_144 = arith.constant 0 : i32
        %dma_wait3A_145 = arith.constant 0 : i32
        %dma_wait3A_146 = tpu.memref_slice %arg5[%rem3A_84, %dma_wait3A_144, %dma_wait3A_145] : memref<2x8x3968xf32, #tpu.memory_space<vmem>> -> memref<1x8x3968xf32, #tpu.memory_space<vmem>>
        %dma_wait3A_147 = tpu.memref_squeeze %dma_wait3A_146 : memref<1x8x3968xf32, #tpu.memory_space<vmem>> -> memref<8x3968xf32, #tpu.memory_space<vmem>>
        %dma_wait3A_148 = tpu.memref_slice %arg3[%multiple_of3A_143, %multiple_of3A_142] : memref<64x1000000xf32, #tpu.memory_space<hbm>> -> memref<8x3968xf32, #tpu.memory_space<hbm>>
        %dma_wait3A_149 = tpu.memref_slice %arg7[%rem3A_84] : memref<2x!tpu.dma_semaphore, #tpu.memory_space<semaphore_mem>> -> memref<1x!tpu.dma_semaphore, #tpu.memory_space<semaphore_mem>>
        %dma_wait3A_150 = tpu.memref_squeeze %dma_wait3A_149 : memref<1x!tpu.dma_semaphore, #tpu.memory_space<semaphore_mem>> -> memref<!tpu.dma_semaphore, #tpu.memory_space<semaphore_mem>>
        %dma_wait3A_151 = tpu.memref_slice %arg3[%multiple_of3A_143, %multiple_of3A_142] : memref<64x1000000xf32, #tpu.memory_space<hbm>> -> memref<8x3968xf32, #tpu.memory_space<hbm>>
        %dma_wait3A_152 = arith.constant 0 : i32
        %dma_wait3A_153 = arith.constant 0 : i32
        %dma_wait3A_154 = tpu.memref_slice %arg5[%rem3A_84, %dma_wait3A_152, %dma_wait3A_153] : memref<2x8x3968xf32, #tpu.memory_space<vmem>> -> memref<1x8x3968xf32, #tpu.memory_space<vmem>>
        %dma_wait3A_155 = tpu.memref_squeeze %dma_wait3A_154 : memref<1x8x3968xf32, #tpu.memory_space<vmem>> -> memref<8x3968xf32, #tpu.memory_space<vmem>>
        tpu.wait_dma2 semaphore(%dma_wait3A_150 : memref<!tpu.dma_semaphore, #tpu.memory_space<semaphore_mem>>) src(%dma_wait3A_155 : memref<8x3968xf32, #tpu.memory_space<vmem>>) dst(%dma_wait3A_151 : memref<8x3968xf32, #tpu.memory_space<hbm>>)
      } else {
      }
      %scan3A_104 = arith.constant 0 : i32
      %scan3A_105 = arith.constant 248 : i32
      %scan3A_106 = arith.addi %scan3A_104, %scan3A_105 : i32
      %scan3A_107 = arith.constant 2 : i32
      scf.for %scan3A_138 = %scan3A_104 to %scan3A_106 step %scan3A_107  : i32 {
        %mul3A_139 = arith.constant 16 : i32
        %mul3A_140 = arith.muli %mul3A_139, %scan3A_138 : i32
        %get3A = arith.constant 0 : i32
        %get3A_141 = arith.index_cast %rem3A_84 : i32 to index
        %get3A_142 = arith.index_cast %get3A : i32 to index
        %get3A_143 = arith.index_cast %mul3A_140 : i32 to index
        %get3A_144 = tpu.vector_load %arg4[%get3A_141, %get3A_142, %get3A_143] {strides = array<i32>} : memref<2x8x3968xf32, #tpu.memory_space<vmem>>, vector<1x1x16xf32>,
        %get3A_145 = vector.shape_cast %get3A_144 : vector<1x1x16xf32> to vector<16xf32>
        %add3A_146 = arith.constant 1.000000e+00 : f32
        %add3A_147 = vector.broadcast %add3A_146 : f32 to vector<16xf32>
        %add3A_148 = arith.addf %get3A_145, %add3A_147 : vector<16xf32>
        %mul3A_149 = arith.constant 16 : i32
        %mul3A_150 = arith.muli %mul3A_149, %scan3A_138 : i32
        %swap3A = arith.constant 0 : i32
        %swap3A_151 = arith.index_cast %rem3A_84 : i32 to index
        %swap3A_152 = arith.index_cast %swap3A : i32 to index
        %swap3A_153 = arith.index_cast %mul3A_150 : i32 to index
        %swap3A_154 = tpu.vector_load %arg5[%swap3A_151, %swap3A_152, %swap3A_153] {strides = array<i32>} : memref<2x8x3968xf32, #tpu.memory_space<vmem>>, vector<1x1x16xf32>,
        %swap3A_155 = vector.shape_cast %swap3A_154 : vector<1x1x16xf32> to vector<16xf32>
        %swap3A_156 = vector.shape_cast %add3A_148 : vector<16xf32> to vector<1x1x16xf32>
        tpu.vector_store %arg5[%swap3A_151, %swap3A_152, %swap3A_153], %swap3A_156 {strides = array<i32>} : memref<2x8x3968xf32, #tpu.memory_space<vmem>>, vector<1x1x16xf32>,
        %mul3A_157 = arith.constant 16 : i32
        %mul3A_158 = arith.muli %mul3A_157, %scan3A_138 : i32
        %get3A_159 = arith.constant 1 : i32
        %get3A_160 = arith.index_cast %rem3A_84 : i32 to index
        %get3A_161 = arith.index_cast %get3A_159 : i32 to index
        %get3A_162 = arith.index_cast %mul3A_158 : i32 to index
        %get3A_163 = tpu.vector_load %arg4[%get3A_160, %get3A_161, %get3A_162] {strides = array<i32>} : memref<2x8x3968xf32, #tpu.memory_space<vmem>>, vector<1x1x16xf32>,
        %get3A_164 = vector.shape_cast %get3A_163 : vector<1x1x16xf32> to vector<16xf32>
        %add3A_165 = arith.constant 1.000000e+00 : f32
        %add3A_166 = vector.broadcast %add3A_165 : f32 to vector<16xf32>
        %add3A_167 = arith.addf %get3A_164, %add3A_166 : vector<16xf32>
        %mul3A_168 = arith.constant 16 : i32
        %mul3A_169 = arith.muli %mul3A_168, %scan3A_138 : i32
        %swap3A_170 = arith.constant 1 : i32
        %swap3A_171 = arith.index_cast %rem3A_84 : i32 to index
        %swap3A_172 = arith.index_cast %swap3A_170 : i32 to index
        %swap3A_173 = arith.index_cast %mul3A_169 : i32 to index
        %swap3A_174 = tpu.vector_load %arg5[%swap3A_171, %swap3A_172, %swap3A_173] {strides = array<i32>} : memref<2x8x3968xf32, #tpu.memory_space<vmem>>, vector<1x1x16xf32>,
        %swap3A_175 = vector.shape_cast %swap3A_174 : vector<1x1x16xf32> to vector<16xf32>
        %swap3A_176 = vector.shape_cast %add3A_167 : vector<16xf32> to vector<1x1x16xf32>
        tpu.vector_store %arg5[%swap3A_171, %swap3A_172, %swap3A_173], %swap3A_176 {strides = array<i32>} : memref<2x8x3968xf32, #tpu.memory_space<vmem>>, vector<1x1x16xf32>,
        %mul3A_177 = arith.constant 16 : i32
        %mul3A_178 = arith.muli %mul3A_177, %scan3A_138 : i32
        %get3A_179 = arith.constant 2 : i32
        %get3A_180 = arith.index_cast %rem3A_84 : i32 to index
        %get3A_181 = arith.index_cast %get3A_179 : i32 to index
        %get3A_182 = arith.index_cast %mul3A_178 : i32 to index
        %get3A_183 = tpu.vector_load %arg4[%get3A_180, %get3A_181, %get3A_182] {strides = array<i32>} : memref<2x8x3968xf32, #tpu.memory_space<vmem>>, vector<1x1x16xf32>,
        %get3A_184 = vector.shape_cast %get3A_183 : vector<1x1x16xf32> to vector<16xf32>
        %add3A_185 = arith.constant 1.000000e+00 : f32
        %add3A_186 = vector.broadcast %add3A_185 : f32 to vector<16xf32>
        %add3A_187 = arith.addf %get3A_184, %add3A_186 : vector<16xf32>
        %mul3A_188 = arith.constant 16 : i32
        %mul3A_189 = arith.muli %mul3A_188, %scan3A_138 : i32
        %swap3A_190 = arith.constant 2 : i32
        %swap3A_191 = arith.index_cast %rem3A_84 : i32 to index
        %swap3A_192 = arith.index_cast %swap3A_190 : i32 to index
        %swap3A_193 = arith.index_cast %mul3A_189 : i32 to index
        %swap3A_194 = tpu.vector_load %arg5[%swap3A_191, %swap3A_192, %swap3A_193] {strides = array<i32>} : memref<2x8x3968xf32, #tpu.memory_space<vmem>>, vector<1x1x16xf32>,
        %swap3A_195 = vector.shape_cast %swap3A_194 : vector<1x1x16xf32> to vector<16xf32>
        %swap3A_196 = vector.shape_cast %add3A_187 : vector<16xf32> to vector<1x1x16xf32>
        tpu.vector_store %arg5[%swap3A_191, %swap3A_192, %swap3A_193], %swap3A_196 {strides = array<i32>} : memref<2x8x3968xf32, #tpu.memory_space<vmem>>, vector<1x1x16xf32>,
        %mul3A_197 = arith.constant 16 : i32
        %mul3A_198 = arith.muli %mul3A_197, %scan3A_138 : i32
        %get3A_199 = arith.constant 3 : i32
        %get3A_200 = arith.index_cast %rem3A_84 : i32 to index
        %get3A_201 = arith.index_cast %get3A_199 : i32 to index
        %get3A_202 = arith.index_cast %mul3A_198 : i32 to index
        %get3A_203 = tpu.vector_load %arg4[%get3A_200, %get3A_201, %get3A_202] {strides = array<i32>} : memref<2x8x3968xf32, #tpu.memory_space<vmem>>, vector<1x1x16xf32>,
        %get3A_204 = vector.shape_cast %get3A_203 : vector<1x1x16xf32> to vector<16xf32>
        %add3A_205 = arith.constant 1.000000e+00 : f32
        %add3A_206 = vector.broadcast %add3A_205 : f32 to vector<16xf32>
        %add3A_207 = arith.addf %get3A_204, %add3A_206 : vector<16xf32>
        %mul3A_208 = arith.constant 16 : i32
        %mul3A_209 = arith.muli %mul3A_208, %scan3A_138 : i32
        %swap3A_210 = arith.constant 3 : i32
        %swap3A_211 = arith.index_cast %rem3A_84 : i32 to index
        %swap3A_212 = arith.index_cast %swap3A_210 : i32 to index
        %swap3A_213 = arith.index_cast %mul3A_209 : i32 to index
        %swap3A_214 = tpu.vector_load %arg5[%swap3A_211, %swap3A_212, %swap3A_213] {strides = array<i32>} : memref<2x8x3968xf32, #tpu.memory_space<vmem>>, vector<1x1x16xf32>,
        %swap3A_215 = vector.shape_cast %swap3A_214 : vector<1x1x16xf32> to vector<16xf32>
        %swap3A_216 = vector.shape_cast %add3A_207 : vector<16xf32> to vector<1x1x16xf32>
        tpu.vector_store %arg5[%swap3A_211, %swap3A_212, %swap3A_213], %swap3A_216 {strides = array<i32>} : memref<2x8x3968xf32, #tpu.memory_space<vmem>>, vector<1x1x16xf32>,
        %mul3A_217 = arith.constant 16 : i32
        %mul3A_218 = arith.muli %mul3A_217, %scan3A_138 : i32
        %get3A_219 = arith.constant 4 : i32
        %get3A_220 = arith.index_cast %rem3A_84 : i32 to index
        %get3A_221 = arith.index_cast %get3A_219 : i32 to index
        %get3A_222 = arith.index_cast %mul3A_218 : i32 to index
        %get3A_223 = tpu.vector_load %arg4[%get3A_220, %get3A_221, %get3A_222] {strides = array<i32>} : memref<2x8x3968xf32, #tpu.memory_space<vmem>>, vector<1x1x16xf32>,
        %get3A_224 = vector.shape_cast %get3A_223 : vector<1x1x16xf32> to vector<16xf32>
        %add3A_225 = arith.constant 1.000000e+00 : f32
        %add3A_226 = vector.broadcast %add3A_225 : f32 to vector<16xf32>
        %add3A_227 = arith.addf %get3A_224, %add3A_226 : vector<16xf32>
        %mul3A_228 = arith.constant 16 : i32
        %mul3A_229 = arith.muli %mul3A_228, %scan3A_138 : i32
        %swap3A_230 = arith.constant 4 : i32
        %swap3A_231 = arith.index_cast %rem3A_84 : i32 to index
        %swap3A_232 = arith.index_cast %swap3A_230 : i32 to index
        %swap3A_233 = arith.index_cast %mul3A_229 : i32 to index
        %swap3A_234 = tpu.vector_load %arg5[%swap3A_231, %swap3A_232, %swap3A_233] {strides = array<i32>} : memref<2x8x3968xf32, #tpu.memory_space<vmem>>, vector<1x1x16xf32>,
        %swap3A_235 = vector.shape_cast %swap3A_234 : vector<1x1x16xf32> to vector<16xf32>
        %swap3A_236 = vector.shape_cast %add3A_227 : vector<16xf32> to vector<1x1x16xf32>
        tpu.vector_store %arg5[%swap3A_231, %swap3A_232, %swap3A_233], %swap3A_236 {strides = array<i32>} : memref<2x8x3968xf32, #tpu.memory_space<vmem>>, vector<1x1x16xf32>,
        %mul3A_237 = arith.constant 16 : i32
        %mul3A_238 = arith.muli %mul3A_237, %scan3A_138 : i32
        %get3A_239 = arith.constant 5 : i32
        %get3A_240 = arith.index_cast %rem3A_84 : i32 to index
        %get3A_241 = arith.index_cast %get3A_239 : i32 to index
        %get3A_242 = arith.index_cast %mul3A_238 : i32 to index
        %get3A_243 = tpu.vector_load %arg4[%get3A_240, %get3A_241, %get3A_242] {strides = array<i32>} : memref<2x8x3968xf32, #tpu.memory_space<vmem>>, vector<1x1x16xf32>,
        %get3A_244 = vector.shape_cast %get3A_243 : vector<1x1x16xf32> to vector<16xf32>
        %add3A_245 = arith.constant 1.000000e+00 : f32
        %add3A_246 = vector.broadcast %add3A_245 : f32 to vector<16xf32>
        %add3A_247 = arith.addf %get3A_244, %add3A_246 : vector<16xf32>
        %mul3A_248 = arith.constant 16 : i32
        %mul3A_249 = arith.muli %mul3A_248, %scan3A_138 : i32
        %swap3A_250 = arith.constant 5 : i32
        %swap3A_251 = arith.index_cast %rem3A_84 : i32 to index
        %swap3A_252 = arith.index_cast %swap3A_250 : i32 to index
        %swap3A_253 = arith.index_cast %mul3A_249 : i32 to index
        %swap3A_254 = tpu.vector_load %arg5[%swap3A_251, %swap3A_252, %swap3A_253] {strides = array<i32>} : memref<2x8x3968xf32, #tpu.memory_space<vmem>>, vector<1x1x16xf32>,
        %swap3A_255 = vector.shape_cast %swap3A_254 : vector<1x1x16xf32> to vector<16xf32>
        %swap3A_256 = vector.shape_cast %add3A_247 : vector<16xf32> to vector<1x1x16xf32>
        tpu.vector_store %arg5[%swap3A_251, %swap3A_252, %swap3A_253], %swap3A_256 {strides = array<i32>} : memref<2x8x3968xf32, #tpu.memory_space<vmem>>, vector<1x1x16xf32>,
        %mul3A_257 = arith.constant 16 : i32
        %mul3A_258 = arith.muli %mul3A_257, %scan3A_138 : i32
        %get3A_259 = arith.constant 6 : i32
        %get3A_260 = arith.index_cast %rem3A_84 : i32 to index
        %get3A_261 = arith.index_cast %get3A_259 : i32 to index
        %get3A_262 = arith.index_cast %mul3A_258 : i32 to index
        %get3A_263 = tpu.vector_load %arg4[%get3A_260, %get3A_261, %get3A_262] {strides = array<i32>} : memref<2x8x3968xf32, #tpu.memory_space<vmem>>, vector<1x1x16xf32>,
        %get3A_264 = vector.shape_cast %get3A_263 : vector<1x1x16xf32> to vector<16xf32>
        %add3A_265 = arith.constant 1.000000e+00 : f32
        %add3A_266 = vector.broadcast %add3A_265 : f32 to vector<16xf32>
        %add3A_267 = arith.addf %get3A_264, %add3A_266 : vector<16xf32>
        %mul3A_268 = arith.constant 16 : i32
        %mul3A_269 = arith.muli %mul3A_268, %scan3A_138 : i32
        %swap3A_270 = arith.constant 6 : i32
        %swap3A_271 = arith.index_cast %rem3A_84 : i32 to index
        %swap3A_272 = arith.index_cast %swap3A_270 : i32 to index
        %swap3A_273 = arith.index_cast %mul3A_269 : i32 to index
        %swap3A_274 = tpu.vector_load %arg5[%swap3A_271, %swap3A_272, %swap3A_273] {strides = array<i32>} : memref<2x8x3968xf32, #tpu.memory_space<vmem>>, vector<1x1x16xf32>,
        %swap3A_275 = vector.shape_cast %swap3A_274 : vector<1x1x16xf32> to vector<16xf32>
        %swap3A_276 = vector.shape_cast %add3A_267 : vector<16xf32> to vector<1x1x16xf32>
        tpu.vector_store %arg5[%swap3A_271, %swap3A_272, %swap3A_273], %swap3A_276 {strides = array<i32>} : memref<2x8x3968xf32, #tpu.memory_space<vmem>>, vector<1x1x16xf32>,
        %mul3A_277 = arith.constant 16 : i32
        %mul3A_278 = arith.muli %mul3A_277, %scan3A_138 : i32
        %get3A_279 = arith.constant 7 : i32
        %get3A_280 = arith.index_cast %rem3A_84 : i32 to index
        %get3A_281 = arith.index_cast %get3A_279 : i32 to index
        %get3A_282 = arith.index_cast %mul3A_278 : i32 to index
        %get3A_283 = tpu.vector_load %arg4[%get3A_280, %get3A_281, %get3A_282] {strides = array<i32>} : memref<2x8x3968xf32, #tpu.memory_space<vmem>>, vector<1x1x16xf32>,
        %get3A_284 = vector.shape_cast %get3A_283 : vector<1x1x16xf32> to vector<16xf32>
        %add3A_285 = arith.constant 1.000000e+00 : f32
        %add3A_286 = vector.broadcast %add3A_285 : f32 to vector<16xf32>
        %add3A_287 = arith.addf %get3A_284, %add3A_286 : vector<16xf32>
        %mul3A_288 = arith.constant 16 : i32
        %mul3A_289 = arith.muli %mul3A_288, %scan3A_138 : i32
        %swap3A_290 = arith.constant 7 : i32
        %swap3A_291 = arith.index_cast %rem3A_84 : i32 to index
        %swap3A_292 = arith.index_cast %swap3A_290 : i32 to index
        %swap3A_293 = arith.index_cast %mul3A_289 : i32 to index
        %swap3A_294 = tpu.vector_load %arg5[%swap3A_291, %swap3A_292, %swap3A_293] {strides = array<i32>} : memref<2x8x3968xf32, #tpu.memory_space<vmem>>, vector<1x1x16xf32>,
        %swap3A_295 = vector.shape_cast %swap3A_294 : vector<1x1x16xf32> to vector<16xf32>
        %swap3A_296 = vector.shape_cast %add3A_287 : vector<16xf32> to vector<1x1x16xf32>
        tpu.vector_store %arg5[%swap3A_291, %swap3A_292, %swap3A_293], %swap3A_296 {strides = array<i32>} : memref<2x8x3968xf32, #tpu.memory_space<vmem>>, vector<1x1x16xf32>,
        %scan3A_297 = arith.constant 1 : i32
        %scan3A_298 = arith.addi %scan3A_138, %scan3A_297 : i32
        %mul3A_299 = arith.constant 16 : i32
        %mul3A_300 = arith.muli %mul3A_299, %scan3A_298 : i32
        %get3A_301 = arith.constant 0 : i32
        %get3A_302 = arith.index_cast %rem3A_84 : i32 to index
        %get3A_303 = arith.index_cast %get3A_301 : i32 to index
        %get3A_304 = arith.index_cast %mul3A_300 : i32 to index
        %get3A_305 = tpu.vector_load %arg4[%get3A_302, %get3A_303, %get3A_304] {strides = array<i32>} : memref<2x8x3968xf32, #tpu.memory_space<vmem>>, vector<1x1x16xf32>,
        %get3A_306 = vector.shape_cast %get3A_305 : vector<1x1x16xf32> to vector<16xf32>
        %add3A_307 = arith.constant 1.000000e+00 : f32
        %add3A_308 = vector.broadcast %add3A_307 : f32 to vector<16xf32>
        %add3A_309 = arith.addf %get3A_306, %add3A_308 : vector<16xf32>
        %mul3A_310 = arith.constant 16 : i32
        %mul3A_311 = arith.muli %mul3A_310, %scan3A_298 : i32
        %swap3A_312 = arith.constant 0 : i32
        %swap3A_313 = arith.index_cast %rem3A_84 : i32 to index
        %swap3A_314 = arith.index_cast %swap3A_312 : i32 to index
        %swap3A_315 = arith.index_cast %mul3A_311 : i32 to index
        %swap3A_316 = tpu.vector_load %arg5[%swap3A_313, %swap3A_314, %swap3A_315] {strides = array<i32>} : memref<2x8x3968xf32, #tpu.memory_space<vmem>>, vector<1x1x16xf32>,
        %swap3A_317 = vector.shape_cast %swap3A_316 : vector<1x1x16xf32> to vector<16xf32>
        %swap3A_318 = vector.shape_cast %add3A_309 : vector<16xf32> to vector<1x1x16xf32>
        tpu.vector_store %arg5[%swap3A_313, %swap3A_314, %swap3A_315], %swap3A_318 {strides = array<i32>} : memref<2x8x3968xf32, #tpu.memory_space<vmem>>, vector<1x1x16xf32>,
        %mul3A_319 = arith.constant 16 : i32
        %mul3A_320 = arith.muli %mul3A_319, %scan3A_298 : i32
        %get3A_321 = arith.constant 1 : i32
        %get3A_322 = arith.index_cast %rem3A_84 : i32 to index
        %get3A_323 = arith.index_cast %get3A_321 : i32 to index
        %get3A_324 = arith.index_cast %mul3A_320 : i32 to index
        %get3A_325 = tpu.vector_load %arg4[%get3A_322, %get3A_323, %get3A_324] {strides = array<i32>} : memref<2x8x3968xf32, #tpu.memory_space<vmem>>, vector<1x1x16xf32>,
        %get3A_326 = vector.shape_cast %get3A_325 : vector<1x1x16xf32> to vector<16xf32>
        %add3A_327 = arith.constant 1.000000e+00 : f32
        %add3A_328 = vector.broadcast %add3A_327 : f32 to vector<16xf32>
        %add3A_329 = arith.addf %get3A_326, %add3A_328 : vector<16xf32>
        %mul3A_330 = arith.constant 16 : i32
        %mul3A_331 = arith.muli %mul3A_330, %scan3A_298 : i32
        %swap3A_332 = arith.constant 1 : i32
        %swap3A_333 = arith.index_cast %rem3A_84 : i32 to index
        %swap3A_334 = arith.index_cast %swap3A_332 : i32 to index
        %swap3A_335 = arith.index_cast %mul3A_331 : i32 to index
        %swap3A_336 = tpu.vector_load %arg5[%swap3A_333, %swap3A_334, %swap3A_335] {strides = array<i32>} : memref<2x8x3968xf32, #tpu.memory_space<vmem>>, vector<1x1x16xf32>,
        %swap3A_337 = vector.shape_cast %swap3A_336 : vector<1x1x16xf32> to vector<16xf32>
        %swap3A_338 = vector.shape_cast %add3A_329 : vector<16xf32> to vector<1x1x16xf32>
        tpu.vector_store %arg5[%swap3A_333, %swap3A_334, %swap3A_335], %swap3A_338 {strides = array<i32>} : memref<2x8x3968xf32, #tpu.memory_space<vmem>>, vector<1x1x16xf32>,
        %mul3A_339 = arith.constant 16 : i32
        %mul3A_340 = arith.muli %mul3A_339, %scan3A_298 : i32
        %get3A_341 = arith.constant 2 : i32
        %get3A_342 = arith.index_cast %rem3A_84 : i32 to index
        %get3A_343 = arith.index_cast %get3A_341 : i32 to index
        %get3A_344 = arith.index_cast %mul3A_340 : i32 to index
        %get3A_345 = tpu.vector_load %arg4[%get3A_342, %get3A_343, %get3A_344] {strides = array<i32>} : memref<2x8x3968xf32, #tpu.memory_space<vmem>>, vector<1x1x16xf32>,
        %get3A_346 = vector.shape_cast %get3A_345 : vector<1x1x16xf32> to vector<16xf32>
        %add3A_347 = arith.constant 1.000000e+00 : f32
        %add3A_348 = vector.broadcast %add3A_347 : f32 to vector<16xf32>
        %add3A_349 = arith.addf %get3A_346, %add3A_348 : vector<16xf32>
        %mul3A_350 = arith.constant 16 : i32
        %mul3A_351 = arith.muli %mul3A_350, %scan3A_298 : i32
        %swap3A_352 = arith.constant 2 : i32
        %swap3A_353 = arith.index_cast %rem3A_84 : i32 to index
        %swap3A_354 = arith.index_cast %swap3A_352 : i32 to index
        %swap3A_355 = arith.index_cast %mul3A_351 : i32 to index
        %swap3A_356 = tpu.vector_load %arg5[%swap3A_353, %swap3A_354, %swap3A_355] {strides = array<i32>} : memref<2x8x3968xf32, #tpu.memory_space<vmem>>, vector<1x1x16xf32>,
        %swap3A_357 = vector.shape_cast %swap3A_356 : vector<1x1x16xf32> to vector<16xf32>
        %swap3A_358 = vector.shape_cast %add3A_349 : vector<16xf32> to vector<1x1x16xf32>
        tpu.vector_store %arg5[%swap3A_353, %swap3A_354, %swap3A_355], %swap3A_358 {strides = array<i32>} : memref<2x8x3968xf32, #tpu.memory_space<vmem>>, vector<1x1x16xf32>,
        %mul3A_359 = arith.constant 16 : i32
        %mul3A_360 = arith.muli %mul3A_359, %scan3A_298 : i32
        %get3A_361 = arith.constant 3 : i32
        %get3A_362 = arith.index_cast %rem3A_84 : i32 to index
        %get3A_363 = arith.index_cast %get3A_361 : i32 to index
        %get3A_364 = arith.index_cast %mul3A_360 : i32 to index
        %get3A_365 = tpu.vector_load %arg4[%get3A_362, %get3A_363, %get3A_364] {strides = array<i32>} : memref<2x8x3968xf32, #tpu.memory_space<vmem>>, vector<1x1x16xf32>,
        %get3A_366 = vector.shape_cast %get3A_365 : vector<1x1x16xf32> to vector<16xf32>
        %add3A_367 = arith.constant 1.000000e+00 : f32
        %add3A_368 = vector.broadcast %add3A_367 : f32 to vector<16xf32>
        %add3A_369 = arith.addf %get3A_366, %add3A_368 : vector<16xf32>
        %mul3A_370 = arith.constant 16 : i32
        %mul3A_371 = arith.muli %mul3A_370, %scan3A_298 : i32
        %swap3A_372 = arith.constant 3 : i32
        %swap3A_373 = arith.index_cast %rem3A_84 : i32 to index
        %swap3A_374 = arith.index_cast %swap3A_372 : i32 to index
        %swap3A_375 = arith.index_cast %mul3A_371 : i32 to index
        %swap3A_376 = tpu.vector_load %arg5[%swap3A_373, %swap3A_374, %swap3A_375] {strides = array<i32>} : memref<2x8x3968xf32, #tpu.memory_space<vmem>>, vector<1x1x16xf32>,
        %swap3A_377 = vector.shape_cast %swap3A_376 : vector<1x1x16xf32> to vector<16xf32>
        %swap3A_378 = vector.shape_cast %add3A_369 : vector<16xf32> to vector<1x1x16xf32>
        tpu.vector_store %arg5[%swap3A_373, %swap3A_374, %swap3A_375], %swap3A_378 {strides = array<i32>} : memref<2x8x3968xf32, #tpu.memory_space<vmem>>, vector<1x1x16xf32>,
        %mul3A_379 = arith.constant 16 : i32
        %mul3A_380 = arith.muli %mul3A_379, %scan3A_298 : i32
        %get3A_381 = arith.constant 4 : i32
        %get3A_382 = arith.index_cast %rem3A_84 : i32 to index
        %get3A_383 = arith.index_cast %get3A_381 : i32 to index
        %get3A_384 = arith.index_cast %mul3A_380 : i32 to index
        %get3A_385 = tpu.vector_load %arg4[%get3A_382, %get3A_383, %get3A_384] {strides = array<i32>} : memref<2x8x3968xf32, #tpu.memory_space<vmem>>, vector<1x1x16xf32>,
        %get3A_386 = vector.shape_cast %get3A_385 : vector<1x1x16xf32> to vector<16xf32>
        %add3A_387 = arith.constant 1.000000e+00 : f32
        %add3A_388 = vector.broadcast %add3A_387 : f32 to vector<16xf32>
        %add3A_389 = arith.addf %get3A_386, %add3A_388 : vector<16xf32>
        %mul3A_390 = arith.constant 16 : i32
        %mul3A_391 = arith.muli %mul3A_390, %scan3A_298 : i32
        %swap3A_392 = arith.constant 4 : i32
        %swap3A_393 = arith.index_cast %rem3A_84 : i32 to index
        %swap3A_394 = arith.index_cast %swap3A_392 : i32 to index
        %swap3A_395 = arith.index_cast %mul3A_391 : i32 to index
        %swap3A_396 = tpu.vector_load %arg5[%swap3A_393, %swap3A_394, %swap3A_395] {strides = array<i32>} : memref<2x8x3968xf32, #tpu.memory_space<vmem>>, vector<1x1x16xf32>,
        %swap3A_397 = vector.shape_cast %swap3A_396 : vector<1x1x16xf32> to vector<16xf32>
        %swap3A_398 = vector.shape_cast %add3A_389 : vector<16xf32> to vector<1x1x16xf32>
        tpu.vector_store %arg5[%swap3A_393, %swap3A_394, %swap3A_395], %swap3A_398 {strides = array<i32>} : memref<2x8x3968xf32, #tpu.memory_space<vmem>>, vector<1x1x16xf32>,
        %mul3A_399 = arith.constant 16 : i32
        %mul3A_400 = arith.muli %mul3A_399, %scan3A_298 : i32
        %get3A_401 = arith.constant 5 : i32
        %get3A_402 = arith.index_cast %rem3A_84 : i32 to index
        %get3A_403 = arith.index_cast %get3A_401 : i32 to index
        %get3A_404 = arith.index_cast %mul3A_400 : i32 to index
        %get3A_405 = tpu.vector_load %arg4[%get3A_402, %get3A_403, %get3A_404] {strides = array<i32>} : memref<2x8x3968xf32, #tpu.memory_space<vmem>>, vector<1x1x16xf32>,
        %get3A_406 = vector.shape_cast %get3A_405 : vector<1x1x16xf32> to vector<16xf32>
        %add3A_407 = arith.constant 1.000000e+00 : f32
        %add3A_408 = vector.broadcast %add3A_407 : f32 to vector<16xf32>
        %add3A_409 = arith.addf %get3A_406, %add3A_408 : vector<16xf32>
        %mul3A_410 = arith.constant 16 : i32
        %mul3A_411 = arith.muli %mul3A_410, %scan3A_298 : i32
        %swap3A_412 = arith.constant 5 : i32
        %swap3A_413 = arith.index_cast %rem3A_84 : i32 to index
        %swap3A_414 = arith.index_cast %swap3A_412 : i32 to index
        %swap3A_415 = arith.index_cast %mul3A_411 : i32 to index
        %swap3A_416 = tpu.vector_load %arg5[%swap3A_413, %swap3A_414, %swap3A_415] {strides = array<i32>} : memref<2x8x3968xf32, #tpu.memory_space<vmem>>, vector<1x1x16xf32>,
        %swap3A_417 = vector.shape_cast %swap3A_416 : vector<1x1x16xf32> to vector<16xf32>
        %swap3A_418 = vector.shape_cast %add3A_409 : vector<16xf32> to vector<1x1x16xf32>
        tpu.vector_store %arg5[%swap3A_413, %swap3A_414, %swap3A_415], %swap3A_418 {strides = array<i32>} : memref<2x8x3968xf32, #tpu.memory_space<vmem>>, vector<1x1x16xf32>,
        %mul3A_419 = arith.constant 16 : i32
        %mul3A_420 = arith.muli %mul3A_419, %scan3A_298 : i32
        %get3A_421 = arith.constant 6 : i32
        %get3A_422 = arith.index_cast %rem3A_84 : i32 to index
        %get3A_423 = arith.index_cast %get3A_421 : i32 to index
        %get3A_424 = arith.index_cast %mul3A_420 : i32 to index
        %get3A_425 = tpu.vector_load %arg4[%get3A_422, %get3A_423, %get3A_424] {strides = array<i32>} : memref<2x8x3968xf32, #tpu.memory_space<vmem>>, vector<1x1x16xf32>,
        %get3A_426 = vector.shape_cast %get3A_425 : vector<1x1x16xf32> to vector<16xf32>
        %add3A_427 = arith.constant 1.000000e+00 : f32
        %add3A_428 = vector.broadcast %add3A_427 : f32 to vector<16xf32>
        %add3A_429 = arith.addf %get3A_426, %add3A_428 : vector<16xf32>
        %mul3A_430 = arith.constant 16 : i32
        %mul3A_431 = arith.muli %mul3A_430, %scan3A_298 : i32
        %swap3A_432 = arith.constant 6 : i32
        %swap3A_433 = arith.index_cast %rem3A_84 : i32 to index
        %swap3A_434 = arith.index_cast %swap3A_432 : i32 to index
        %swap3A_435 = arith.index_cast %mul3A_431 : i32 to index
        %swap3A_436 = tpu.vector_load %arg5[%swap3A_433, %swap3A_434, %swap3A_435] {strides = array<i32>} : memref<2x8x3968xf32, #tpu.memory_space<vmem>>, vector<1x1x16xf32>,
        %swap3A_437 = vector.shape_cast %swap3A_436 : vector<1x1x16xf32> to vector<16xf32>
        %swap3A_438 = vector.shape_cast %add3A_429 : vector<16xf32> to vector<1x1x16xf32>
        tpu.vector_store %arg5[%swap3A_433, %swap3A_434, %swap3A_435], %swap3A_438 {strides = array<i32>} : memref<2x8x3968xf32, #tpu.memory_space<vmem>>, vector<1x1x16xf32>,
        %mul3A_439 = arith.constant 16 : i32
        %mul3A_440 = arith.muli %mul3A_439, %scan3A_298 : i32
        %get3A_441 = arith.constant 7 : i32
        %get3A_442 = arith.index_cast %rem3A_84 : i32 to index
        %get3A_443 = arith.index_cast %get3A_441 : i32 to index
        %get3A_444 = arith.index_cast %mul3A_440 : i32 to index
        %get3A_445 = tpu.vector_load %arg4[%get3A_442, %get3A_443, %get3A_444] {strides = array<i32>} : memref<2x8x3968xf32, #tpu.memory_space<vmem>>, vector<1x1x16xf32>,
        %get3A_446 = vector.shape_cast %get3A_445 : vector<1x1x16xf32> to vector<16xf32>
        %add3A_447 = arith.constant 1.000000e+00 : f32
        %add3A_448 = vector.broadcast %add3A_447 : f32 to vector<16xf32>
        %add3A_449 = arith.addf %get3A_446, %add3A_448 : vector<16xf32>
        %mul3A_450 = arith.constant 16 : i32
        %mul3A_451 = arith.muli %mul3A_450, %scan3A_298 : i32
        %swap3A_452 = arith.constant 7 : i32
        %swap3A_453 = arith.index_cast %rem3A_84 : i32 to index
        %swap3A_454 = arith.index_cast %swap3A_452 : i32 to index
        %swap3A_455 = arith.index_cast %mul3A_451 : i32 to index
        %swap3A_456 = tpu.vector_load %arg5[%swap3A_453, %swap3A_454, %swap3A_455] {strides = array<i32>} : memref<2x8x3968xf32, #tpu.memory_space<vmem>>, vector<1x1x16xf32>,
        %swap3A_457 = vector.shape_cast %swap3A_456 : vector<1x1x16xf32> to vector<16xf32>
        %swap3A_458 = vector.shape_cast %add3A_449 : vector<16xf32> to vector<1x1x16xf32>
        tpu.vector_store %arg5[%swap3A_453, %swap3A_454, %swap3A_455], %swap3A_458 {strides = array<i32>} : memref<2x8x3968xf32, #tpu.memory_space<vmem>>, vector<1x1x16xf32>,
      }
      %scan3A_108 = arith.constant 248 : i32
      %eq3A = arith.constant 0 : i32
      %eq3A_109 = arith.cmpi eq, %div3A_4, %eq3A : i32
      %eq3A_110 = arith.constant 0 : i32
      %eq3A_111 = arith.cmpi eq, %scan3A_82, %eq3A_110 : i32
      %and3A = arith.andi %eq3A_109, %eq3A_111 : i1
      %convert_element_type3A_112 = arith.extui %and3A : i1 to i32
      %cond3A_113 = arith.constant 0 : i32
      %cond3A_114 = arith.cmpi ne, %convert_element_type3A_112, %cond3A_113 : i32
      scf.if %cond3A_114 {
        %iota3A = tpu.iota {dimensions = array<i32: 0>} : vector<16xi32>
        %get3A = arith.constant 0 : i32
        %get3A_138 = arith.constant 0 : i32
        %get3A_139 = arith.index_cast %get3A : i32 to index
        %get3A_140 = arith.index_cast %get3A_138 : i32 to index
        %get3A_141 = arith.constant 0 : index
        %get3A_142 = tpu.vector_load %arg5[%get3A_139, %get3A_140, %get3A_141] {strides = array<i32>} : memref<2x8x3968xf32, #tpu.memory_space<vmem>>, vector<1x1x16xf32>,
        %get3A_143 = vector.shape_cast %get3A_142 : vector<1x1x16xf32> to vector<16xf32>
        %eq3A_144 = arith.constant 1 : i32
        %eq3A_145 = vector.broadcast %eq3A_144 : i32 to vector<16xi32>
        %eq3A_146 = arith.cmpi eq, %iota3A, %eq3A_145 : vector<16xi32>
        %jit3A = arith.constant 2.000000e+00 : f32
        %broadcast_in_dim3A = vector.broadcast %jit3A : f32 to vector<16xf32>
        %select_n3A = arith.select %eq3A_146, %broadcast_in_dim3A, %get3A_143 : vector<16xi1>, vector<16xf32>
        %swap3A = arith.constant 0 : i32
        %swap3A_147 = arith.constant 0 : i32
        %swap3A_148 = arith.index_cast %swap3A : i32 to index
        %swap3A_149 = arith.index_cast %swap3A_147 : i32 to index
        %swap3A_150 = arith.constant 0 : index
        %swap3A_151 = tpu.vector_load %arg5[%swap3A_148, %swap3A_149, %swap3A_150] {strides = array<i32>} : memref<2x8x3968xf32, #tpu.memory_space<vmem>>, vector<1x1x16xf32>,
        %swap3A_152 = vector.shape_cast %swap3A_151 : vector<1x1x16xf32> to vector<16xf32>
        %swap3A_153 = vector.shape_cast %select_n3A : vector<16xf32> to vector<1x1x16xf32>
        tpu.vector_store %arg5[%swap3A_148, %swap3A_149, %swap3A_150], %swap3A_153 {strides = array<i32>} : memref<2x8x3968xf32, #tpu.memory_space<vmem>>, vector<1x1x16xf32>,
        %get3A_154 = arith.constant 0 : i32
        %get3A_155 = arith.constant 1 : i32
        %get3A_156 = arith.index_cast %get3A_154 : i32 to index
        %get3A_157 = arith.index_cast %get3A_155 : i32 to index
        %get3A_158 = arith.constant 0 : index
        %get3A_159 = tpu.vector_load %arg5[%get3A_156, %get3A_157, %get3A_158] {strides = array<i32>} : memref<2x8x3968xf32, #tpu.memory_space<vmem>>, vector<1x1x16xf32>,
        %get3A_160 = vector.shape_cast %get3A_159 : vector<1x1x16xf32> to vector<16xf32>
        %eq3A_161 = arith.constant 1 : i32
        %eq3A_162 = vector.broadcast %eq3A_161 : i32 to vector<16xi32>
        %eq3A_163 = arith.cmpi eq, %iota3A, %eq3A_162 : vector<16xi32>
        %jit3A_164 = arith.constant 2.000000e+00 : f32
        %broadcast_in_dim3A_165 = vector.broadcast %jit3A_164 : f32 to vector<16xf32>
        %select_n3A_166 = arith.select %eq3A_163, %broadcast_in_dim3A_165, %get3A_160 : vector<16xi1>, vector<16xf32>
        %swap3A_167 = arith.constant 0 : i32
        %swap3A_168 = arith.constant 1 : i32
        %swap3A_169 = arith.index_cast %swap3A_167 : i32 to index
        %swap3A_170 = arith.index_cast %swap3A_168 : i32 to index
        %swap3A_171 = arith.constant 0 : index
        %swap3A_172 = tpu.vector_load %arg5[%swap3A_169, %swap3A_170, %swap3A_171] {strides = array<i32>} : memref<2x8x3968xf32, #tpu.memory_space<vmem>>, vector<1x1x16xf32>,
        %swap3A_173 = vector.shape_cast %swap3A_172 : vector<1x1x16xf32> to vector<16xf32>
        %swap3A_174 = vector.shape_cast %select_n3A_166 : vector<16xf32> to vector<1x1x16xf32>
        tpu.vector_store %arg5[%swap3A_169, %swap3A_170, %swap3A_171], %swap3A_174 {strides = array<i32>} : memref<2x8x3968xf32, #tpu.memory_space<vmem>>, vector<1x1x16xf32>,
        %get3A_175 = arith.constant 0 : i32
        %get3A_176 = arith.constant 2 : i32
        %get3A_177 = arith.index_cast %get3A_175 : i32 to index
        %get3A_178 = arith.index_cast %get3A_176 : i32 to index
        %get3A_179 = arith.constant 0 : index
        %get3A_180 = tpu.vector_load %arg5[%get3A_177, %get3A_178, %get3A_179] {strides = array<i32>} : memref<2x8x3968xf32, #tpu.memory_space<vmem>>, vector<1x1x16xf32>,
        %get3A_181 = vector.shape_cast %get3A_180 : vector<1x1x16xf32> to vector<16xf32>
        %eq3A_182 = arith.constant 1 : i32
        %eq3A_183 = vector.broadcast %eq3A_182 : i32 to vector<16xi32>
        %eq3A_184 = arith.cmpi eq, %iota3A, %eq3A_183 : vector<16xi32>
        %jit3A_185 = arith.constant 2.000000e+00 : f32
        %broadcast_in_dim3A_186 = vector.broadcast %jit3A_185 : f32 to vector<16xf32>
        %select_n3A_187 = arith.select %eq3A_184, %broadcast_in_dim3A_186, %get3A_181 : vector<16xi1>, vector<16xf32>
        %swap3A_188 = arith.constant 0 : i32
        %swap3A_189 = arith.constant 2 : i32
        %swap3A_190 = arith.index_cast %swap3A_188 : i32 to index
        %swap3A_191 = arith.index_cast %swap3A_189 : i32 to index
        %swap3A_192 = arith.constant 0 : index
        %swap3A_193 = tpu.vector_load %arg5[%swap3A_190, %swap3A_191, %swap3A_192] {strides = array<i32>} : memref<2x8x3968xf32, #tpu.memory_space<vmem>>, vector<1x1x16xf32>,
        %swap3A_194 = vector.shape_cast %swap3A_193 : vector<1x1x16xf32> to vector<16xf32>
        %swap3A_195 = vector.shape_cast %select_n3A_187 : vector<16xf32> to vector<1x1x16xf32>
        tpu.vector_store %arg5[%swap3A_190, %swap3A_191, %swap3A_192], %swap3A_195 {strides = array<i32>} : memref<2x8x3968xf32, #tpu.memory_space<vmem>>, vector<1x1x16xf32>,
        %get3A_196 = arith.constant 0 : i32
        %get3A_197 = arith.constant 3 : i32
        %get3A_198 = arith.index_cast %get3A_196 : i32 to index
        %get3A_199 = arith.index_cast %get3A_197 : i32 to index
        %get3A_200 = arith.constant 0 : index
        %get3A_201 = tpu.vector_load %arg5[%get3A_198, %get3A_199, %get3A_200] {strides = array<i32>} : memref<2x8x3968xf32, #tpu.memory_space<vmem>>, vector<1x1x16xf32>,
        %get3A_202 = vector.shape_cast %get3A_201 : vector<1x1x16xf32> to vector<16xf32>
        %eq3A_203 = arith.constant 1 : i32
        %eq3A_204 = vector.broadcast %eq3A_203 : i32 to vector<16xi32>
        %eq3A_205 = arith.cmpi eq, %iota3A, %eq3A_204 : vector<16xi32>
        %jit3A_206 = arith.constant 2.000000e+00 : f32
        %broadcast_in_dim3A_207 = vector.broadcast %jit3A_206 : f32 to vector<16xf32>
        %select_n3A_208 = arith.select %eq3A_205, %broadcast_in_dim3A_207, %get3A_202 : vector<16xi1>, vector<16xf32>
        %swap3A_209 = arith.constant 0 : i32
        %swap3A_210 = arith.constant 3 : i32
        %swap3A_211 = arith.index_cast %swap3A_209 : i32 to index
        %swap3A_212 = arith.index_cast %swap3A_210 : i32 to index
        %swap3A_213 = arith.constant 0 : index
        %swap3A_214 = tpu.vector_load %arg5[%swap3A_211, %swap3A_212, %swap3A_213] {strides = array<i32>} : memref<2x8x3968xf32, #tpu.memory_space<vmem>>, vector<1x1x16xf32>,
        %swap3A_215 = vector.shape_cast %swap3A_214 : vector<1x1x16xf32> to vector<16xf32>
        %swap3A_216 = vector.shape_cast %select_n3A_208 : vector<16xf32> to vector<1x1x16xf32>
        tpu.vector_store %arg5[%swap3A_211, %swap3A_212, %swap3A_213], %swap3A_216 {strides = array<i32>} : memref<2x8x3968xf32, #tpu.memory_space<vmem>>, vector<1x1x16xf32>,
        %get3A_217 = arith.constant 0 : i32
        %get3A_218 = arith.constant 4 : i32
        %get3A_219 = arith.index_cast %get3A_217 : i32 to index
        %get3A_220 = arith.index_cast %get3A_218 : i32 to index
        %get3A_221 = arith.constant 0 : index
        %get3A_222 = tpu.vector_load %arg5[%get3A_219, %get3A_220, %get3A_221] {strides = array<i32>} : memref<2x8x3968xf32, #tpu.memory_space<vmem>>, vector<1x1x16xf32>,
        %get3A_223 = vector.shape_cast %get3A_222 : vector<1x1x16xf32> to vector<16xf32>
        %eq3A_224 = arith.constant 1 : i32
        %eq3A_225 = vector.broadcast %eq3A_224 : i32 to vector<16xi32>
        %eq3A_226 = arith.cmpi eq, %iota3A, %eq3A_225 : vector<16xi32>
        %jit3A_227 = arith.constant 2.000000e+00 : f32
        %broadcast_in_dim3A_228 = vector.broadcast %jit3A_227 : f32 to vector<16xf32>
        %select_n3A_229 = arith.select %eq3A_226, %broadcast_in_dim3A_228, %get3A_223 : vector<16xi1>, vector<16xf32>
        %swap3A_230 = arith.constant 0 : i32
        %swap3A_231 = arith.constant 4 : i32
        %swap3A_232 = arith.index_cast %swap3A_230 : i32 to index
        %swap3A_233 = arith.index_cast %swap3A_231 : i32 to index
        %swap3A_234 = arith.constant 0 : index
        %swap3A_235 = tpu.vector_load %arg5[%swap3A_232, %swap3A_233, %swap3A_234] {strides = array<i32>} : memref<2x8x3968xf32, #tpu.memory_space<vmem>>, vector<1x1x16xf32>,
        %swap3A_236 = vector.shape_cast %swap3A_235 : vector<1x1x16xf32> to vector<16xf32>
        %swap3A_237 = vector.shape_cast %select_n3A_229 : vector<16xf32> to vector<1x1x16xf32>
        tpu.vector_store %arg5[%swap3A_232, %swap3A_233, %swap3A_234], %swap3A_237 {strides = array<i32>} : memref<2x8x3968xf32, #tpu.memory_space<vmem>>, vector<1x1x16xf32>,
        %get3A_238 = arith.constant 0 : i32
        %get3A_239 = arith.constant 5 : i32
        %get3A_240 = arith.index_cast %get3A_238 : i32 to index
        %get3A_241 = arith.index_cast %get3A_239 : i32 to index
        %get3A_242 = arith.constant 0 : index
        %get3A_243 = tpu.vector_load %arg5[%get3A_240, %get3A_241, %get3A_242] {strides = array<i32>} : memref<2x8x3968xf32, #tpu.memory_space<vmem>>, vector<1x1x16xf32>,
        %get3A_244 = vector.shape_cast %get3A_243 : vector<1x1x16xf32> to vector<16xf32>
        %eq3A_245 = arith.constant 1 : i32
        %eq3A_246 = vector.broadcast %eq3A_245 : i32 to vector<16xi32>
        %eq3A_247 = arith.cmpi eq, %iota3A, %eq3A_246 : vector<16xi32>
        %jit3A_248 = arith.constant 2.000000e+00 : f32
        %broadcast_in_dim3A_249 = vector.broadcast %jit3A_248 : f32 to vector<16xf32>
        %select_n3A_250 = arith.select %eq3A_247, %broadcast_in_dim3A_249, %get3A_244 : vector<16xi1>, vector<16xf32>
        %swap3A_251 = arith.constant 0 : i32
        %swap3A_252 = arith.constant 5 : i32
        %swap3A_253 = arith.index_cast %swap3A_251 : i32 to index
        %swap3A_254 = arith.index_cast %swap3A_252 : i32 to index
        %swap3A_255 = arith.constant 0 : index
        %swap3A_256 = tpu.vector_load %arg5[%swap3A_253, %swap3A_254, %swap3A_255] {strides = array<i32>} : memref<2x8x3968xf32, #tpu.memory_space<vmem>>, vector<1x1x16xf32>,
        %swap3A_257 = vector.shape_cast %swap3A_256 : vector<1x1x16xf32> to vector<16xf32>
        %swap3A_258 = vector.shape_cast %select_n3A_250 : vector<16xf32> to vector<1x1x16xf32>
        tpu.vector_store %arg5[%swap3A_253, %swap3A_254, %swap3A_255], %swap3A_258 {strides = array<i32>} : memref<2x8x3968xf32, #tpu.memory_space<vmem>>, vector<1x1x16xf32>,
        %get3A_259 = arith.constant 0 : i32
        %get3A_260 = arith.constant 6 : i32
        %get3A_261 = arith.index_cast %get3A_259 : i32 to index
        %get3A_262 = arith.index_cast %get3A_260 : i32 to index
        %get3A_263 = arith.constant 0 : index
        %get3A_264 = tpu.vector_load %arg5[%get3A_261, %get3A_262, %get3A_263] {strides = array<i32>} : memref<2x8x3968xf32, #tpu.memory_space<vmem>>, vector<1x1x16xf32>,
        %get3A_265 = vector.shape_cast %get3A_264 : vector<1x1x16xf32> to vector<16xf32>
        %eq3A_266 = arith.constant 1 : i32
        %eq3A_267 = vector.broadcast %eq3A_266 : i32 to vector<16xi32>
        %eq3A_268 = arith.cmpi eq, %iota3A, %eq3A_267 : vector<16xi32>
        %jit3A_269 = arith.constant 2.000000e+00 : f32
        %broadcast_in_dim3A_270 = vector.broadcast %jit3A_269 : f32 to vector<16xf32>
        %select_n3A_271 = arith.select %eq3A_268, %broadcast_in_dim3A_270, %get3A_265 : vector<16xi1>, vector<16xf32>
        %swap3A_272 = arith.constant 0 : i32
        %swap3A_273 = arith.constant 6 : i32
        %swap3A_274 = arith.index_cast %swap3A_272 : i32 to index
        %swap3A_275 = arith.index_cast %swap3A_273 : i32 to index
        %swap3A_276 = arith.constant 0 : index
        %swap3A_277 = tpu.vector_load %arg5[%swap3A_274, %swap3A_275, %swap3A_276] {strides = array<i32>} : memref<2x8x3968xf32, #tpu.memory_space<vmem>>, vector<1x1x16xf32>,
        %swap3A_278 = vector.shape_cast %swap3A_277 : vector<1x1x16xf32> to vector<16xf32>
        %swap3A_279 = vector.shape_cast %select_n3A_271 : vector<16xf32> to vector<1x1x16xf32>
        tpu.vector_store %arg5[%swap3A_274, %swap3A_275, %swap3A_276], %swap3A_279 {strides = array<i32>} : memref<2x8x3968xf32, #tpu.memory_space<vmem>>, vector<1x1x16xf32>,
        %get3A_280 = arith.constant 0 : i32
        %get3A_281 = arith.constant 7 : i32
        %get3A_282 = arith.index_cast %get3A_280 : i32 to index
        %get3A_283 = arith.index_cast %get3A_281 : i32 to index
        %get3A_284 = arith.constant 0 : index
        %get3A_285 = tpu.vector_load %arg5[%get3A_282, %get3A_283, %get3A_284] {strides = array<i32>} : memref<2x8x3968xf32, #tpu.memory_space<vmem>>, vector<1x1x16xf32>,
        %get3A_286 = vector.shape_cast %get3A_285 : vector<1x1x16xf32> to vector<16xf32>
        %eq3A_287 = arith.constant 1 : i32
        %eq3A_288 = vector.broadcast %eq3A_287 : i32 to vector<16xi32>
        %eq3A_289 = arith.cmpi eq, %iota3A, %eq3A_288 : vector<16xi32>
        %jit3A_290 = arith.constant 2.000000e+00 : f32
        %broadcast_in_dim3A_291 = vector.broadcast %jit3A_290 : f32 to vector<16xf32>
        %select_n3A_292 = arith.select %eq3A_289, %broadcast_in_dim3A_291, %get3A_286 : vector<16xi1>, vector<16xf32>
        %swap3A_293 = arith.constant 0 : i32
        %swap3A_294 = arith.constant 7 : i32
        %swap3A_295 = arith.index_cast %swap3A_293 : i32 to index
        %swap3A_296 = arith.index_cast %swap3A_294 : i32 to index
        %swap3A_297 = arith.constant 0 : index
        %swap3A_298 = tpu.vector_load %arg5[%swap3A_295, %swap3A_296, %swap3A_297] {strides = array<i32>} : memref<2x8x3968xf32, #tpu.memory_space<vmem>>, vector<1x1x16xf32>,
        %swap3A_299 = vector.shape_cast %swap3A_298 : vector<1x1x16xf32> to vector<16xf32>
        %swap3A_300 = vector.shape_cast %select_n3A_292 : vector<16xf32> to vector<1x1x16xf32>
        tpu.vector_store %arg5[%swap3A_295, %swap3A_296, %swap3A_297], %swap3A_300 {strides = array<i32>} : memref<2x8x3968xf32, #tpu.memory_space<vmem>>, vector<1x1x16xf32>,
      } else {
      }
      %mul3A_115 = arith.constant 3968 : i32
      %mul3A_116 = arith.muli %scan3A_82, %mul3A_115 : i32
      %add3A_117 = arith.addi %mul3A_6, %mul3A_116 : i32
      %multiple_of3A_118 = tpu.assume_multiple %add3A_117, 128 : i32
      %multiple_of3A_119 = tpu.assume_multiple %mul3A_3, 8 : i32
      %dma_start3A_120 = arith.constant 0 : i32
      %dma_start3A_121 = arith.constant 0 : i32
      %dma_start3A_122 = tpu.memref_slice %arg5[%rem3A_84, %dma_start3A_120, %dma_start3A_121] : memref<2x8x3968xf32, #tpu.memory_space<vmem>> -> memref<1x8x3968xf32, #tpu.memory_space<vmem>>
      %dma_start3A_123 = tpu.memref_squeeze %dma_start3A_122 : memref<1x8x3968xf32, #tpu.memory_space<vmem>> -> memref<8x3968xf32, #tpu.memory_space<vmem>>
      %dma_start3A_124 = tpu.memref_slice %arg3[%multiple_of3A_119, %multiple_of3A_118] : memref<64x1000000xf32, #tpu.memory_space<hbm>> -> memref<8x3968xf32, #tpu.memory_space<hbm>>
      %dma_start3A_125 = tpu.memref_slice %arg7[%rem3A_84] : memref<2x!tpu.dma_semaphore, #tpu.memory_space<semaphore_mem>> -> memref<1x!tpu.dma_semaphore, #tpu.memory_space<semaphore_mem>>
      %dma_start3A_126 = tpu.memref_squeeze %dma_start3A_125 : memref<1x!tpu.dma_semaphore, #tpu.memory_space<semaphore_mem>> -> memref<!tpu.dma_semaphore, #tpu.memory_space<semaphore_mem>>
      %dma_start3A_127 = tpu.memref_slice %arg3[%multiple_of3A_119, %multiple_of3A_118] : memref<64x1000000xf32, #tpu.memory_space<hbm>> -> memref<8x3968xf32, #tpu.memory_space<hbm>>
      %dma_start3A_128 = arith.constant 0 : i32
      %dma_start3A_129 = arith.constant 0 : i32
      %dma_start3A_130 = tpu.memref_slice %arg5[%rem3A_84, %dma_start3A_128, %dma_start3A_129] : memref<2x8x3968xf32, #tpu.memory_space<vmem>> -> memref<1x8x3968xf32, #tpu.memory_space<vmem>>
      %dma_start3A_131 = tpu.memref_squeeze %dma_start3A_130 : memref<1x8x3968xf32, #tpu.memory_space<vmem>> -> memref<8x3968xf32, #tpu.memory_space<vmem>>
      tpu.enqueue_dma source(%dma_start3A_131 : memref<8x3968xf32, #tpu.memory_space<vmem>>) target(%dma_start3A_127 : memref<8x3968xf32, #tpu.memory_space<hbm>>) target_semaphore(%dma_start3A_126 : memref<!tpu.dma_semaphore, #tpu.memory_space<semaphore_mem>>)
      %add3A_132 = arith.constant 2 : i32
      %add3A_133 = arith.addi %scan3A_82, %add3A_132 : i32
      %lt3A = arith.constant 63 : i32
      %lt3A_134 = arith.cmpi slt, %add3A_133, %lt3A : i32
      %convert_element_type3A_135 = arith.extui %lt3A_134 : i1 to i32
      %cond3A_136 = arith.constant 0 : i32
      %cond3A_137 = arith.cmpi ne, %convert_element_type3A_135, %cond3A_136 : i32
      scf.if %cond3A_137 {
        %add3A_138 = arith.constant 2 : i32
        %add3A_139 = arith.addi %scan3A_82, %add3A_138 : i32
        %mul3A_140 = arith.constant 3968 : i32
        %mul3A_141 = arith.muli %add3A_139, %mul3A_140 : i32
        %add3A_142 = arith.addi %mul3A_6, %mul3A_141 : i32
        %multiple_of3A_143 = tpu.assume_multiple %add3A_142, 128 : i32
        %multiple_of3A_144 = tpu.assume_multiple %mul3A_3, 8 : i32
        %dma_start3A_145 = arith.constant 0 : i32
        %dma_start3A_146 = arith.constant 0 : i32
        %dma_start3A_147 = tpu.memref_slice %arg4[%rem3A_84, %dma_start3A_145, %dma_start3A_146] : memref<2x8x3968xf32, #tpu.memory_space<vmem>> -> memref<1x8x3968xf32, #tpu.memory_space<vmem>>
        %dma_start3A_148 = tpu.memref_squeeze %dma_start3A_147 : memref<1x8x3968xf32, #tpu.memory_space<vmem>> -> memref<8x3968xf32, #tpu.memory_space<vmem>>
        %dma_start3A_149 = tpu.memref_slice %arg2[%multiple_of3A_144, %multiple_of3A_143] : memref<64x1000000xf32, #tpu.memory_space<hbm>> -> memref<8x3968xf32, #tpu.memory_space<hbm>>
        %dma_start3A_150 = tpu.memref_slice %arg6[%rem3A_84] : memref<2x!tpu.dma_semaphore, #tpu.memory_space<semaphore_mem>> -> memref<1x!tpu.dma_semaphore, #tpu.memory_space<semaphore_mem>>
        %dma_start3A_151 = tpu.memref_squeeze %dma_start3A_150 : memref<1x!tpu.dma_semaphore, #tpu.memory_space<semaphore_mem>> -> memref<!tpu.dma_semaphore, #tpu.memory_space<semaphore_mem>>
        %dma_start3A_152 = arith.constant 0 : i32
        %dma_start3A_153 = arith.constant 0 : i32
        %dma_start3A_154 = tpu.memref_slice %arg4[%rem3A_84, %dma_start3A_152, %dma_start3A_153] : memref<2x8x3968xf32, #tpu.memory_space<vmem>> -> memref<1x8x3968xf32, #tpu.memory_space<vmem>>
        %dma_start3A_155 = tpu.memref_squeeze %dma_start3A_154 : memref<1x8x3968xf32, #tpu.memory_space<vmem>> -> memref<8x3968xf32, #tpu.memory_space<vmem>>
        %dma_start3A_156 = tpu.memref_slice %arg2[%multiple_of3A_144, %multiple_of3A_143] : memref<64x1000000xf32, #tpu.memory_space<hbm>> -> memref<8x3968xf32, #tpu.memory_space<hbm>>
        tpu.enqueue_dma source(%dma_start3A_156 : memref<8x3968xf32, #tpu.memory_space<hbm>>) target(%dma_start3A_155 : memref<8x3968xf32, #tpu.memory_space<vmem>>) target_semaphore(%dma_start3A_151 : memref<!tpu.dma_semaphore, #tpu.memory_space<semaphore_mem>>)
      } else {
      }
    }
    %scan3A_44 = arith.constant 63 : i32
    %rem3A_45 = arith.constant 61 : i32
    %rem3A_46 = arith.constant 2 : i32
    %rem3A_47 = arith.remsi %rem3A_45, %rem3A_46 : i32
    %add3A_48 = arith.constant 242048 : i32
    %add3A_49 = arith.addi %mul3A_6, %add3A_48 : i32
    %multiple_of3A_50 = tpu.assume_multiple %add3A_49, 128 : i32
    %multiple_of3A_51 = tpu.assume_multiple %mul3A_3, 8 : i32
    %dma_wait3A = arith.constant 0 : i32
    %dma_wait3A_52 = arith.constant 0 : i32
    %dma_wait3A_53 = tpu.memref_slice %arg5[%rem3A_47, %dma_wait3A, %dma_wait3A_52] : memref<2x8x3968xf32, #tpu.memory_space<vmem>> -> memref<1x8x3968xf32, #tpu.memory_space<vmem>>
    %dma_wait3A_54 = tpu.memref_squeeze %dma_wait3A_53 : memref<1x8x3968xf32, #tpu.memory_space<vmem>> -> memref<8x3968xf32, #tpu.memory_space<vmem>>
    %dma_wait3A_55 = tpu.memref_slice %arg3[%multiple_of3A_51, %multiple_of3A_50] : memref<64x1000000xf32, #tpu.memory_space<hbm>> -> memref<8x3968xf32, #tpu.memory_space<hbm>>
    %dma_wait3A_56 = tpu.memref_slice %arg7[%rem3A_47] : memref<2x!tpu.dma_semaphore, #tpu.memory_space<semaphore_mem>> -> memref<1x!tpu.dma_semaphore, #tpu.memory_space<semaphore_mem>>
    %dma_wait3A_57 = tpu.memref_squeeze %dma_wait3A_56 : memref<1x!tpu.dma_semaphore, #tpu.memory_space<semaphore_mem>> -> memref<!tpu.dma_semaphore, #tpu.memory_space<semaphore_mem>>
    %dma_wait3A_58 = tpu.memref_slice %arg3[%multiple_of3A_51, %multiple_of3A_50] : memref<64x1000000xf32, #tpu.memory_space<hbm>> -> memref<8x3968xf32, #tpu.memory_space<hbm>>
    %dma_wait3A_59 = arith.constant 0 : i32
    %dma_wait3A_60 = arith.constant 0 : i32
    %dma_wait3A_61 = tpu.memref_slice %arg5[%rem3A_47, %dma_wait3A_59, %dma_wait3A_60] : memref<2x8x3968xf32, #tpu.memory_space<vmem>> -> memref<1x8x3968xf32, #tpu.memory_space<vmem>>
    %dma_wait3A_62 = tpu.memref_squeeze %dma_wait3A_61 : memref<1x8x3968xf32, #tpu.memory_space<vmem>> -> memref<8x3968xf32, #tpu.memory_space<vmem>>
    tpu.wait_dma2 semaphore(%dma_wait3A_57 : memref<!tpu.dma_semaphore, #tpu.memory_space<semaphore_mem>>) src(%dma_wait3A_62 : memref<8x3968xf32, #tpu.memory_space<vmem>>) dst(%dma_wait3A_58 : memref<8x3968xf32, #tpu.memory_space<hbm>>)
    %rem3A_63 = arith.constant 62 : i32
    %rem3A_64 = arith.constant 2 : i32
    %rem3A_65 = arith.remsi %rem3A_63, %rem3A_64 : i32
    %add3A_66 = arith.constant 246016 : i32
    %add3A_67 = arith.addi %mul3A_6, %add3A_66 : i32
    %multiple_of3A_68 = tpu.assume_multiple %add3A_67, 128 : i32
    %multiple_of3A_69 = tpu.assume_multiple %mul3A_3, 8 : i32
    %dma_wait3A_70 = arith.constant 0 : i32
    %dma_wait3A_71 = arith.constant 0 : i32
    %dma_wait3A_72 = tpu.memref_slice %arg5[%rem3A_65, %dma_wait3A_70, %dma_wait3A_71] : memref<2x8x3968xf32, #tpu.memory_space<vmem>> -> memref<1x8x3968xf32, #tpu.memory_space<vmem>>
    %dma_wait3A_73 = tpu.memref_squeeze %dma_wait3A_72 : memref<1x8x3968xf32, #tpu.memory_space<vmem>> -> memref<8x3968xf32, #tpu.memory_space<vmem>>
    %dma_wait3A_74 = tpu.memref_slice %arg3[%multiple_of3A_69, %multiple_of3A_68] : memref<64x1000000xf32, #tpu.memory_space<hbm>> -> memref<8x3968xf32, #tpu.memory_space<hbm>>
    %dma_wait3A_75 = tpu.memref_slice %arg7[%rem3A_65] : memref<2x!tpu.dma_semaphore, #tpu.memory_space<semaphore_mem>> -> memref<1x!tpu.dma_semaphore, #tpu.memory_space<semaphore_mem>>
    %dma_wait3A_76 = tpu.memref_squeeze %dma_wait3A_75 : memref<1x!tpu.dma_semaphore, #tpu.memory_space<semaphore_mem>> -> memref<!tpu.dma_semaphore, #tpu.memory_space<semaphore_mem>>
    %dma_wait3A_77 = tpu.memref_slice %arg3[%multiple_of3A_69, %multiple_of3A_68] : memref<64x1000000xf32, #tpu.memory_space<hbm>> -> memref<8x3968xf32, #tpu.memory_space<hbm>>
    %dma_wait3A_78 = arith.constant 0 : i32
    %dma_wait3A_79 = arith.constant 0 : i32
    %dma_wait3A_80 = tpu.memref_slice %arg5[%rem3A_65, %dma_wait3A_78, %dma_wait3A_79] : memref<2x8x3968xf32, #tpu.memory_space<vmem>> -> memref<1x8x3968xf32, #tpu.memory_space<vmem>>
    %dma_wait3A_81 = tpu.memref_squeeze %dma_wait3A_80 : memref<1x8x3968xf32, #tpu.memory_space<vmem>> -> memref<8x3968xf32, #tpu.memory_space<vmem>>
    tpu.wait_dma2 semaphore(%dma_wait3A_76 : memref<!tpu.dma_semaphore, #tpu.memory_space<semaphore_mem>>) src(%dma_wait3A_81 : memref<8x3968xf32, #tpu.memory_space<vmem>>) dst(%dma_wait3A_77 : memref<8x3968xf32, #tpu.memory_space<hbm>>)
    return
  }
}

</mosaic_0001>

<sc_bundles>
// kernel: _sc_add_one_t.3.cloned.1.call-start
scs
__scs_entry_jumppad:
0x0: {  	(pc) =	sbr.rel $0x88, $3  }
0x1: {  	(tag) =	ssettag $0x0;
	lr =	simm.s32 $0x1  }
0x2: {  	[smem:$0x3FA0] =	sst lr;
	_ =	strace $0xD0000000  }
0x3: {  	_ = 	snop  }
0x4: {  	_ = 	snop  }
0x5: {  	_ = 	snop  }
0x6: {  	_ = 	snop  }
0x7: {  	_ = 	snop  }
__scs_overlays_trampoline_lowered:
0x8: {  	[smem:$0x3FAF] =	sst s0  }
0x9: {  	[smem:$0x3FB0] =	sst s1  }
0xa: {  	[smem:$0x3FB1] =	sst s2  }
0xb: {  	[smem:$0x3FB2] =	sst s3  }
0xc: {  	[smem:$0x3FB3] =	sst s4  }
0xd: {  	[smem:$0x3FB4] =	sst s5  }
0xe: {  	[smem:$0x3FB5] =	sst s6  }
0xf: {  	[smem:$0x3FB6] =	sst s7  }
0x10: {  	[smem:$0x3FB7] =	sst s8  }
0x11: {  	[smem:$0x3FB8] =	sst s9;
	s0 =	simm.s32 @!p0 $0x0  }
0x12: {  	s1 =	sld [smem:$0x3F9E];
	s0 =	simm.s32 @p0 $0x1  }
0x13: {  	[smem:$0x3FB9] =	sst s0;
	s0 =	simm.s32 @!p1 $0x0  }
0x14: {  	s2 =	sld [smem:$0x3F9D];
	s0 =	simm.s32 @p1 $0x1  }
0x15: {  	[smem:$0x3FBA] =	sst s0;
	s0 =	simm.s32 @!p2 $0x0  }
0x16: {  	s3 =	sld [smem:$0x3FDB];
	s0 =	simm.s32 @p2 $0x1  }
0x17: {  	s4 =	simm.s32 $0x1BF5;
	[smem:$0x3FBC] =	sst s0  }
0x18: {  	s0 =	sld [smem:$0x3F9F];
	_ =	swait.ge [sflag:s4], $0x0  }
0x19: {  	s7 =	sld [smem:$0x3FA0]  }
0x1a: {  	s8 =	sadd.s32 $0xFFFFE003, lr  }
0x1b: {  	s9 =	sadd.s32 $0xFFFFFEF7, lr;
	s5 =	simm.s32 $0xFFFFFFFF;
	p2 =	slt.u32 s8, $0xFFFFF086  }
0x1c: {  	p1 =	slt.u32 s9, $0xF7A;
	s5 =	simm.s32 @!p2 $0x0  }
0x1d: {  	s5 =	simm.s32 @p1 $0x1;
	p0 =	seq.s32 s7, s2  }
0x1e: {  	s7 =	smul.u32 @!p0 $0xF7A, s2;
	p2 =	seq.s32 @!p0 s5, $0x0  }
0x1f: {  	s9 =	smul.u32 $0xF7A, s1;
	s8 =	simm.s32 @!p0 $0x1BF5;
	p2 =	por !p2, p0  }
0x20: {  	[sflag:s8] =	ssyncset.s32 @!p0 $0xFFFFF086;
	s6 =	sadd.s32 @!p0 s3, s7;
	s7 =	simm.s32 @!p0 $0x108  }
0x21: {  	s3 =	sadd.s32 s3, s9;
	s6 =	sadd.s32 @!p0 $0x88, s6;
	s7 =	simm.s32 @p2 $0x1082  }
0x22: {  	[simem:s7], [sflag:s8] =	dma.local @!p0 [hbm:s6], $0xF7A  }
0x23: {  	s9 =	sor.u32 $0xD0000000, s2;
	s6 =	simm.s32 $0x108;
	_ =	swait.ge @!p0 [sflag:s8], $0x0  }
0x24: {  	s3 =	sadd.s32 $0x88, s3;
	s6 =	simm.s32 @!p1 $0x1082;
	[sflag:s4] =	ssyncset.s32 $0xFFFFF086  }
0x25: {  	[simem:s6], [sflag:s4] =	dma.local [hbm:s3], $0xF7A  }
0x26: {  	[smem:$0x3FA0] =	sst s1;
	(tag) =	ssettag s2;
	_ =	strace s9  }
0x27: {  	s1 =	sld [smem:$0x3FB0]  }
0x28: {  	s2 =	sld [smem:$0x3FB1]  }
0x29: {  	s4 =	sld [smem:$0x3FB3]  }
0x2a: {  	p0 =	seq.s32 s5, $0x0;
	s5 =	sld [smem:$0x3FB4]  }
0x2b: {  	s6 =	sld [smem:$0x3FB5]  }
0x2c: {  	s7 =	sld [smem:$0x3FB6]  }
0x2d: {  	s3 =	simm.s32 $0x108;
	s8 =	sld [smem:$0x3FB7]  }
0x2e: {  	s3 =	simm.s32 @!p0 $0x1082;
	s9 =	sld [smem:$0x3FB8]  }
0x2f: {  	lr =	sadd.s32 s0, s3;
	s0 =	sld [smem:$0x3FAF]  }
0x30: {  	s3 =	sld [smem:$0x3FB2]  }
0x31: {  	[smem:$0x3FBB] =	sst s10  }
0x32: {  	s10 =	sld [smem:$0x3FB9];
	_ =	sdelay $0x3  }
0x33: {  	p0 =	seq.s32 s10, $0x1;
	s10 =	sld [smem:$0x3FBB];
	_ =	sdelay $0x3  }
0x34: {  	[smem:$0x3FBB] =	sst s10  }
0x35: {  	s10 =	sld [smem:$0x3FBA];
	_ =	sdelay $0x3  }
0x36: {  	p1 =	seq.s32 s10, $0x1;
	s10 =	sld [smem:$0x3FBB];
	_ =	sdelay $0x3  }
0x37: {  	[smem:$0x3FBB] =	sst s10  }
0x38: {  	s10 =	sld [smem:$0x3FBC]  }
0x39: {  	_ = 	snop;
	(pc) =	sbr.ind lr, $3  }
0x3a: {  	_ = 	snop  }
0x3b: {  	_ = 	snop  }
0x3c: {  	p2 =	seq.s32 s10, $0x1;
	s10 =	sld [smem:$0x3FBB]  }
0x3d: {  	_ =	shalt  }
0x3e: {  	_ =	shalt  }
0x3f: {  	_ =	shalt  }
0x40: {  	_ =	shalt  }
0x41: {  	_ =	shalt  }
0x42: {  	_ =	shalt  }
0x43: {  	_ =	shalt  }
0x44: {  	_ =	shalt  }
0x45: {  	_ =	shalt  }
0x46: {  	_ =	shalt  }
0x47: {  	_ =	shalt  }
0x48: {  	_ =	shalt  }
0x49: {  	_ =	shalt  }
0x4a: {  	_ =	shalt  }
0x4b: {  	_ =	shalt  }
0x4c: {  	_ =	shalt  }
0x4d: {  	_ =	shalt  }
0x4e: {  	_ =	shalt  }
0x4f: {  	_ =	shalt  }
0x50: {  	_ =	shalt  }
0x51: {  	_ =	shalt  }
0x52: {  	_ =	shalt  }
0x53: {  	_ =	shalt  }
0x54: {  	_ =	shalt  }
0x55: {  	_ =	shalt  }
0x56: {  	_ =	shalt  }
0x57: {  	_ =	shalt  }
0x58: {  	_ =	shalt  }
0x59: {  	_ =	shalt  }
0x5a: {  	_ =	shalt  }
0x5b: {  	_ =	shalt  }
0x5c: {  	_ =	shalt  }
0x5d: {  	_ =	shalt  }
0x5e: {  	_ =	shalt  }
0x5f: {  	_ =	shalt  }
0x60: {  	_ =	shalt  }
0x61: {  	_ =	shalt  }
0x62: {  	_ =	shalt  }
0x63: {  	_ =	shalt  }
0x64: {  	_ =	shalt  }
0x65: {  	_ =	shalt  }
0x66: {  	_ =	shalt  }
0x67: {  	_ =	shalt  }
0x68: {  	_ =	shalt  }
0x69: {  	_ =	shalt  }
0x6a: {  	_ =	shalt  }
0x6b: {  	_ =	shalt  }
0x6c: {  	_ =	shalt  }
0x6d: {  	_ =	shalt  }
0x6e: {  	_ =	shalt  }
0x6f: {  	_ =	shalt  }
0x70: {  	_ =	shalt  }
0x71: {  	_ =	shalt  }
0x72: {  	_ =	shalt  }
0x73: {  	_ =	shalt  }
0x74: {  	_ =	shalt  }
0x75: {  	_ =	shalt  }
0x76: {  	_ =	shalt  }
0x77: {  	_ =	shalt  }
0x78: {  	_ =	shalt  }
0x79: {  	_ =	shalt  }
0x7a: {  	_ =	shalt  }
0x7b: {  	_ =	shalt  }
0x7c: {  	_ =	shalt  }
0x7d: {  	_ =	shalt  }
0x7e: {  	_ =	shalt  }
0x7f: {  	_ =	shalt  }
0x80: {  	_ =	shalt  }
0x81: {  	_ =	shalt  }
0x82: {  	_ =	shalt  }
0x83: {  	_ =	shalt  }
0x84: {  	_ =	shalt  }
0x85: {  	_ =	shalt  }
0x86: {  	_ =	shalt  }
0x87: {  	_ =	shalt  }
.Lfunc_end0:
.L_simem_size_0:
called_computation_lowered:
.L_overlay_start_0:
0x88: {  	s2 =	sld [smem:$0x3FD9]  }
0x89: {  	s3 =	sld [smem:$0x3FFE];
	_ =	sdelay $0x1  }
0x8a: {  	s1 =	srdreg.scid  }
0x8b: {  	s0 =	sand.u32 $0x1, s1  }
0x8c: {  	s18 =	sshll.u32 s0, $0xA;
	s2 =	sadd.s32 s3, s2  }
0x8d: {  	s2 =	sadd.s32 s2, s18  }
0x8e: {  	[smem:$0x3FC7] =	sst s2  }
0x8f: {  	_ = 	snop  }
0x90: {  	s2 =	sld [smem:$0x3FC9]  }
0x91: {  	s19 =	sld [smem:$0x3FD0];
	(tm) =	ssettm $0x1  }
0x92: {  	s4 =	sld [smem:$0x3FFB];
	_ =	sdelay $0x3  }
0x93: {  	_ =	strace s4  }
0x94: {  	s4 =	sld [smem:$0x3FFC];
	_ =	sdelay $0x3  }
0x95: {  	_ =	strace s4  }
0x96: {  	s4 =	sld [smem:$0x3FFD];
	_ =	sdelay $0x3  }
0x97: {  	_ =	strace s4  }
0x98: {  	_ =	strace $0x8FFFFFFF  }
0x99: {  	s20 =	sld [smem:$0x3FDB];
	_ =	sdelay $0x1  }
0x9a: {  	s5 =	simm.s32 $_scs_section_size  }
0x9b: {  	s6 =	simm.s32 $_size__tile_overlayer_lowered;
	s7 =	simm.s32 $_tile_overlayer_lowered  }
0x9c: {  	s23 =	simm.s32 $0x1BFF;
	s22 =	sshll.u32 s7, $0x1;
	s4 =	sadd.s32 s5, s20  }
0x9d: {  	s8 =	simm.s32 $0x0;
	s21 =	sshll.u32 s6, $0x1;
	s6 =	sadd.s32 s22, s4  }
0x9e: {  	[timem:s8], [sflag:s23] =	dma.local [hbm:s6], s21  }
0x9f: {  	_ =	swait.ge [sflag:s23], s21  }
0xa0: {  	s5 =	ssub.s32 $0x0, s21;
	[sflag:s23] =	ssyncset.done $0x0  }
0xa1: {  	[sflag:s23] =	ssyncadd.s32 s5;
	_ =	sdelay $0x1  }
0xa2: {  	s24 =	simm.s32 $0x1B8B  }
0xa3: {  	_ =	swait.ge [sflag:s24], $0x1  }
0xa4: {  	[sflag:s24] =	ssyncset.done $0x0  }
0xa5: {  	s25 =	simm.s32 $0x1B8E;
	[sflag:s24] =	ssyncadd.s32 $0xFFFFFFFF  }
0xa6: {  	s26 =	simm.s32 $execute0_lowered;
	[smem:$0x3FD2] =	sst s25  }
0xa7: {  	s5 =	sshll.u32 s26, $0x1;
	_ =	strace $0x80000046;
	[dreg:$0x1] =	wrdreg $0xFFFFFFFF  }
0xa8: {  	s28 =	simm.s32 $_size_execute0_lowered;
	s4 =	sadd.s32 s4, s5;
	[dreg:$0x0] =	wrdreg $0x0  }
0xa9: {  	s5 =	sshll.u32 s28, $0x1;
	[dreg:$0x2] =	wrdreg s4  }
0xaa: {  	[dreg:$0x3] =	wrdreg s5  }
0xab: {  	[dreg:$0x4] =	wrdreg $0xC0  }
0xac: {  	_ =	task [dreg:s8], $0x5FFFF  }
0xad: {  	[dreg:$0x1] =	wrdreg $0xFFFFFFFF  }
0xae: {  	[dreg:$0x0] =	wrdreg $0x60  }
0xaf: {  	[dreg:$0x2] =	wrdreg s2  }
0xb0: {  	[dreg:$0x3] =	wrdreg s19  }
0xb1: {  	[dreg:$0x4] =	wrdreg $0x9  }
0xb2: {  	_ =	task.clear_ibuf [dreg:s8], $0x5FFFF;
	_ =	strace $0x90000046  }
0xb3: {  	s29 =	simm.s32 $0x9;
	_ =	strace $0x80000048  }
0xb4: {  	_ =	swait.ge [sflag:s29], $0x1  }
0xb5: {  	[sflag:s29] =	ssyncadd.s32 $0xFFFFFFFF  }
0xb6: {  	_ =	strace $0x90000048  }
0xb7: {  	_ =	sfence  }
0xb8: {  	s30 =	sld [smem:$0x0];
	_ =	sdelay $0x2  }
0xb9: {  	s31 =	sshll.u32 s1, $0xD;
	s1 =	sshrl.u32 s1, $0x2  }
0xba: {  	s3 =	sand.u32 $0x4000, s31;
	s1 =	sadd.s32 s1, s30  }
0xbb: {  	s0 =	sor.u32 s3, s0;
	s1 =	sshll.u32 s1, $0x11  }
0xbc: {  	s0 =	sor.u32 s1, s0  }
0xbd: {  	s0 =	sadd.s32 $0x8F2B, s0  }
0xbe: {  	[sflag:s0] =	ssyncadd.remote.s32 $0x1  }
0xbf: {  	_ =	sfence.sel $0xFFFF  }
0xc0: {  	[dreg:$0x0] =	wrdreg $0xFFFFFFFF;
	(pc) =	sbr.abs _section_cstart, $3  }
0xc1: {  	[dreg:$0x1] =	wrdreg $0xFFFFFFFF  }
0xc2: {  	_ =	task.clear_ibuf [dreg:s8], $0x2FFFF;
	_ =	strace $0x9FFFFFFF  }
0xc3: {  	(tm) =	ssettm $0x7FFFFFFF  }
tec
execute0_lowered:
.L_overlay_start_1:
0x0: {  	(tag) =	ssettag $0x1  }
0x1: {  	s0 =	stileid.u32;
	s3 =	rddreg [dreg:$0x0]  }
0x2: {  	s1 =	srdreg.scid;
	s5 =	rddreg [dreg:$0x1];
	s10 =	simm.s32 $0x3  }
0x3: {  	s11 =	simm.s32 $0x0;
	s2 =	sshll.u32 s0, $0x1;
	s6 =	sshrl.u32 s0, $0x2  }
0x4: {  	s4 =	sand.u32 $0x1, s1;
	s28 =	sand.u32 $0x6, s2;
	s8 =	smul.u32 $0x1E8400, s6  }
0x5: {  	s1 =	rddreg [dreg:$0x2];
	s6 =	smul.u32 $0x3D080, s6;
	s2 =	sor.u32 s4, s28  }
0x6: {  	p0 =	sgt.u32 s0, $0x3;
	s4 =	ssub.s32 $0x2, s4;
	s7 =	smul.u32 $0x7A1400, s2  }
0x7: {  	s2 =	simm.s32 $0x0;
	s9 =	sshrl.u32 s4, $0x1;
	s30 =	sadd.s32 s6, s3  }
0x8: {  	s5 =	sadd.s32 s5, s6;
	[smem:$0x7FF] =	sst s2;
	s9 =	ssub.s32 s4, s9  }
0x9: {  	_ =	strace $0x80000047;
	s29 =	sadd.s32 s8, s7;
	s7 =	sshrl.u32 s7, $0x3  }
0xa: {  	s8 =	simm.s32 $0x7C00;
	s4 =	sshrl.u32 s29, $0x3;
	s31 =	sadd.s32 s7, s30  }
0xb: {  	s5 =	sadd.s32 s7, s5;
	s7 =	smax.u32 s9, $0x1;
	s3 =	sadd.s32 s3, s4  }
0xc: {  	s9 =	simm.s32 $0x4;
	s6 =	sadd.s32 $0x1F00, s31;
	s4 =	sadd.s32 $0xF80, s3  }
.LBB2_1:
0xd: {  	[tilespmem:s2], [sflag:$0x1] =	stream.linear.gather [hbm4b:s3+s2], $0x7C00, $0x38;
	[tilespmem:$0x1F000] =	vst v63  }
0xe: {  	s12 =	simm.s32 $0x0  }
0xf: {  	[tilespmem:s8], [sflag:$0x2] =	stream.linear.gather [hbm4b:s4+s2], $0x7C00, $0x38;
	[tilespmem:$0x1F000] =	vst v63  }
.LBB2_2:
0x10: {  	s15 =	sand.u32 $0x1, s12  }
0x11: {  	s13 =	sadd.s32 $0x1, s15  }
0x12: {  	_ =	swait.ge [sflag:s13], $0x7C00  }
0x13: {  	p1 =	slt.u32 s12, $0x2;
	s17 =	simm.s32 $0x0;
	[sflag:s13] =	ssyncset.done $0x0  }
0x14: {  	s14 =	smul.u32 $0x7C00, s15;
	s16 =	sadd.s32 @!p1 $0x3, s15;
	[sflag:s13] =	ssyncadd.s32 $0xFFFF8400  }
0x15: {  	s18 =	sand.u32 $0x7C00, s17;
	_ =	swait.ge @!p1 [sflag:s16], $0x7C00  }
0x16: {  	s19 =	sand.u32 $0x60, s17;
	s18 =	sadd.s32 s14, s18;
	[sflag:s16] =	ssyncset.done @!p1 $0x0  }
0x17: {  	[sflag:s16] =	ssyncadd.s32 @!p1 $0xFFFF8400;
	s16 =	sor.u32 s19, s18  }
0x18: {  	v0 =	vld [tilespmem:s16+$0x0];
	_ =	sdelay $0x4  }
0x19: {  	v0 =	vadd.f32 $1.000000000e+00, v0;
	_ =	sdelay $0x1  }
0x1a: {  	s18 =	sor.u32 $0x80, s16;
	[tilespmem:s16+$0xF800] =	vst v0  }
0x1b: {  	v0 =	vld [tilespmem:s18+$0x0];
	_ =	sdelay $0x4  }
0x1c: {  	v0 =	vadd.f32 $1.000000000e+00, v0;
	_ =	sdelay $0x1  }
0x1d: {  	s19 =	sor.u32 $0x100, s16;
	[tilespmem:s16+$0xF880] =	vst v0  }
0x1e: {  	v0 =	vld [tilespmem:s19+$0x0];
	_ =	sdelay $0x4  }
0x1f: {  	v0 =	vadd.f32 $1.000000000e+00, v0;
	_ =	sdelay $0x1  }
0x20: {  	s20 =	sor.u32 $0x180, s16;
	[tilespmem:s16+$0xF900] =	vst v0  }
0x21: {  	v0 =	vld [tilespmem:s20+$0x0];
	_ =	sdelay $0x4  }
0x22: {  	v0 =	vadd.f32 $1.000000000e+00, v0;
	_ =	sdelay $0x1  }
0x23: {  	s21 =	sor.u32 $0x200, s16;
	[tilespmem:s16+$0xF980] =	vst v0  }
0x24: {  	v0 =	vld [tilespmem:s21+$0x0];
	_ =	sdelay $0x4  }
0x25: {  	v0 =	vadd.f32 $1.000000000e+00, v0;
	_ =	sdelay $0x1  }
0x26: {  	s22 =	sor.u32 $0x280, s16;
	[tilespmem:s16+$0xFA00] =	vst v0  }
0x27: {  	v0 =	vld [tilespmem:s22+$0x0];
	_ =	sdelay $0x4  }
0x28: {  	v0 =	vadd.f32 $1.000000000e+00, v0;
	_ =	sdelay $0x1  }
0x29: {  	s23 =	sor.u32 $0x300, s16;
	[tilespmem:s16+$0xFA80] =	vst v0  }
0x2a: {  	v0 =	vld [tilespmem:s23+$0x0];
	_ =	sdelay $0x4  }
0x2b: {  	v0 =	vadd.f32 $1.000000000e+00, v0;
	_ =	sdelay $0x1  }
0x2c: {  	s24 =	sor.u32 $0x380, s16;
	[tilespmem:s16+$0xFB00] =	vst v0  }
0x2d: {  	v0 =	vld [tilespmem:s24+$0x0];
	_ =	sdelay $0x4  }
0x2e: {  	v0 =	vadd.f32 $1.000000000e+00, v0;
	_ =	sdelay $0x1  }
0x2f: {  	s25 =	sor.u32 $0x10, s16;
	[tilespmem:s16+$0xFB80] =	vst v0  }
0x30: {  	v0 =	vld [tilespmem:s25+$0x0];
	_ =	sdelay $0x4  }
0x31: {  	v0 =	vadd.f32 $1.000000000e+00, v0;
	_ =	sdelay $0x1  }
0x32: {  	s26 =	sor.u32 $0x90, s16;
	[tilespmem:s16+$0xF810] =	vst v0  }
0x33: {  	v0 =	vld [tilespmem:s26+$0x0];
	_ =	sdelay $0x4  }
0x34: {  	v0 =	vadd.f32 $1.000000000e+00, v0;
	_ =	sdelay $0x1  }
0x35: {  	s28 =	sor.u32 $0x110, s16;
	[tilespmem:s16+$0xF890] =	vst v0  }
0x36: {  	v0 =	vld [tilespmem:s28+$0x0];
	_ =	sdelay $0x4  }
0x37: {  	v0 =	vadd.f32 $1.000000000e+00, v0;
	_ =	sdelay $0x1  }
0x38: {  	s29 =	sor.u32 $0x190, s16;
	[tilespmem:s16+$0xF910] =	vst v0  }
0x39: {  	v0 =	vld [tilespmem:s29+$0x0];
	_ =	sdelay $0x4  }
0x3a: {  	v0 =	vadd.f32 $1.000000000e+00, v0;
	_ =	sdelay $0x1  }
0x3b: {  	s30 =	sor.u32 $0x210, s16;
	[tilespmem:s16+$0xF990] =	vst v0  }
0x3c: {  	v0 =	vld [tilespmem:s30+$0x0];
	_ =	sdelay $0x4  }
0x3d: {  	v0 =	vadd.f32 $1.000000000e+00, v0;
	_ =	sdelay $0x1  }
0x3e: {  	s31 =	sor.u32 $0x290, s16;
	[tilespmem:s16+$0xFA10] =	vst v0  }
0x3f: {  	v0 =	vld [tilespmem:s31+$0x0];
	_ =	sdelay $0x4  }
0x40: {  	v0 =	vadd.f32 $1.000000000e+00, v0;
	_ =	sdelay $0x1  }
0x41: {  	s20 =	sor.u32 $0x310, s16;
	[tilespmem:s16+$0xFA90] =	vst v0  }
0x42: {  	v0 =	vld [tilespmem:s20+$0x0];
	_ =	sdelay $0x2  }
0x43: {  	s18 =	smul.u32 $0xF80, s12;
	s19 =	simm.s32 $0x0;
	s20 =	simm.s32 $0x100  }
.LBB2_3:
0x44: {  	s21 =	sand.u32 $0x7C00, s20;
	s17 =	sadd.s32 $0x20, s17  }
0x45: {  	s19 =	sadd.s32 $0x2, s19;
	s22 =	sand.u32 $0x60, s17;
	s21 =	sadd.s32 s14, s21;
	v0 =	vadd.f32 $1.000000000e+00, v0  }
0x46: {  	p1 =	slt.u32 s19, $0xF6;
	s21 =	sor.u32 s22, s21  }
0x47: {  	s22 =	sor.u32 $0x390, s16;
	v1 =	vld [tilespmem:s21+$0x0];
	[tilespmem:s16+$0xFB10] =	vst v0  }
0x48: {  	v0 =	vld [tilespmem:s22+$0x0];
	_ =	sdelay $0x3  }
0x49: {  	v1 =	vadd.f32 $1.000000000e+00, v1  }
0x4a: {  	v0 =	vadd.f32 $1.000000000e+00, v0  }
0x4b: {  	[tilespmem:s21+$0xF800] =	vst v1  }
0x4c: {  	s22 =	sor.u32 $0x80, s21;
	[tilespmem:s16+$0xFB90] =	vst v0;
	s16 =	smov.u32 s21  }
0x4d: {  	v0 =	vld [tilespmem:s22+$0x0];
	_ =	sdelay $0x4  }
0x4e: {  	v0 =	vadd.f32 $1.000000000e+00, v0;
	_ =	sdelay $0x1  }
0x4f: {  	s21 =	sor.u32 $0x100, s16;
	[tilespmem:s16+$0xF880] =	vst v0  }
0x50: {  	v0 =	vld [tilespmem:s21+$0x0];
	_ =	sdelay $0x4  }
0x51: {  	v0 =	vadd.f32 $1.000000000e+00, v0;
	_ =	sdelay $0x1  }
0x52: {  	s21 =	sor.u32 $0x180, s16;
	[tilespmem:s16+$0xF900] =	vst v0  }
0x53: {  	v0 =	vld [tilespmem:s21+$0x0];
	_ =	sdelay $0x4  }
0x54: {  	v0 =	vadd.f32 $1.000000000e+00, v0;
	_ =	sdelay $0x1  }
0x55: {  	s21 =	sor.u32 $0x200, s16;
	[tilespmem:s16+$0xF980] =	vst v0  }
0x56: {  	v0 =	vld [tilespmem:s21+$0x0];
	_ =	sdelay $0x4  }
0x57: {  	v0 =	vadd.f32 $1.000000000e+00, v0;
	_ =	sdelay $0x1  }
0x58: {  	s21 =	sor.u32 $0x280, s16;
	[tilespmem:s16+$0xFA00] =	vst v0  }
0x59: {  	v0 =	vld [tilespmem:s21+$0x0];
	_ =	sdelay $0x4  }
0x5a: {  	v0 =	vadd.f32 $1.000000000e+00, v0;
	_ =	sdelay $0x1  }
0x5b: {  	s21 =	sor.u32 $0x300, s16;
	[tilespmem:s16+$0xFA80] =	vst v0  }
0x5c: {  	v0 =	vld [tilespmem:s21+$0x0];
	_ =	sdelay $0x4  }
0x5d: {  	v0 =	vadd.f32 $1.000000000e+00, v0;
	_ =	sdelay $0x1  }
0x5e: {  	s21 =	sor.u32 $0x380, s16;
	[tilespmem:s16+$0xFB00] =	vst v0  }
0x5f: {  	v0 =	vld [tilespmem:s21+$0x0];
	_ =	sdelay $0x4  }
0x60: {  	v0 =	vadd.f32 $1.000000000e+00, v0;
	_ =	sdelay $0x1  }
0x61: {  	s21 =	sor.u32 $0x10, s16;
	[tilespmem:s16+$0xFB80] =	vst v0  }
0x62: {  	v0 =	vld [tilespmem:s21+$0x0];
	_ =	sdelay $0x4  }
0x63: {  	v0 =	vadd.f32 $1.000000000e+00, v0;
	_ =	sdelay $0x1  }
0x64: {  	s21 =	sor.u32 $0x90, s16;
	[tilespmem:s16+$0xF810] =	vst v0  }
0x65: {  	v0 =	vld [tilespmem:s21+$0x0];
	_ =	sdelay $0x4  }
0x66: {  	v0 =	vadd.f32 $1.000000000e+00, v0;
	_ =	sdelay $0x1  }
0x67: {  	s21 =	sor.u32 $0x110, s16;
	[tilespmem:s16+$0xF890] =	vst v0  }
0x68: {  	v0 =	vld [tilespmem:s21+$0x0];
	_ =	sdelay $0x4  }
0x69: {  	v0 =	vadd.f32 $1.000000000e+00, v0;
	_ =	sdelay $0x1  }
0x6a: {  	s21 =	sor.u32 $0x190, s16;
	[tilespmem:s16+$0xF910] =	vst v0  }
0x6b: {  	v0 =	vld [tilespmem:s21+$0x0];
	_ =	sdelay $0x4  }
0x6c: {  	v0 =	vadd.f32 $1.000000000e+00, v0;
	_ =	sdelay $0x1  }
0x6d: {  	s21 =	sor.u32 $0x210, s16;
	[tilespmem:s16+$0xF990] =	vst v0  }
0x6e: {  	v0 =	vld [tilespmem:s21+$0x0];
	_ =	sdelay $0x4  }
0x6f: {  	v0 =	vadd.f32 $1.000000000e+00, v0;
	_ =	sdelay $0x1  }
0x70: {  	s21 =	sor.u32 $0x290, s16;
	[tilespmem:s16+$0xFA10] =	vst v0  }
0x71: {  	v0 =	vld [tilespmem:s21+$0x0];
	_ =	sdelay $0x4  }
0x72: {  	v0 =	vadd.f32 $1.000000000e+00, v0;
	_ =	sdelay $0x1  }
.Ltmp0:
0x73: {  	s21 =	sor.u32 $0x310, s16;
	[tilespmem:s16+$0xFA90] =	vst v0;
	(pc) =	sbr.rel @p1 .LBB2_3-.Ltmp0, $2  }
0x74: {  	v0 =	vld [tilespmem:s21+$0x0];
	_ =	sdelay $0x2  }
0x75: {  	s20 =	sadd.s32 $0x100, s20  }
0x76: {  	_ = 	snop  }
0x77: {  	v0 =	vadd.f32 $1.000000000e+00, v0;
	_ =	sdelay $0x1  }
0x78: {  	s17 =	sor.u32 $0x390, s16;
	[tilespmem:s16+$0xFB10] =	vst v0  }
0x79: {  	p1 =	sne.s32 @!p0 s12, $0x0;
	v0 =	vld [tilespmem:s17+$0x0]  }
0x7a: {  	p1 =	por p1, p0  }
0x7b: {  	v1 =	vld @!p1 [tilespmem:$0xF800]  }
0x7c: {  	v2 =	vld @!p1 [tilespmem:$0xF880]  }
0x7d: {  	v3 =	vld @!p1 [tilespmem:$0xF900]  }
0x7e: {  	v4 =	vlaneseq.u32 @!p1;
	v5 =	vld @!p1 [tilespmem:$0xF980];
	v0 =	vadd.f32 $1.000000000e+00, v0  }
0x7f: {  	vm0 =	veq.s32 @!p1 v4, $0x1;
	v4 =	vld @!p1 [tilespmem:$0xFA00]  }
0x80: {  	[tilespmem:s16+$0xFB90] =	vst v0;
	v0 =	vsel @!p1 vm0, $0x40000000, v1;
	v1 =	vld @!p1 [tilespmem:$0xFA80]  }
0x81: {  	[tilespmem:$0xF800] =	vst @!p1 v0;
	v0 =	vsel @!p1 vm0, $0x40000000, v2;
	v2 =	vld @!p1 [tilespmem:$0xFB00]  }
0x82: {  	[tilespmem:$0xF880] =	vst @!p1 v0;
	v0 =	vsel @!p1 vm0, $0x40000000, v3;
	v3 =	vld @!p1 [tilespmem:$0xFB80]  }
0x83: {  	[tilespmem:$0xF900] =	vst @!p1 v0;
	v0 =	vsel @!p1 vm0, $0x40000000, v5  }
0x84: {  	[tilespmem:$0xF980] =	vst @!p1 v0;
	v0 =	vsel @!p1 vm0, $0x40000000, v4  }
0x85: {  	[tilespmem:$0xFA00] =	vst @!p1 v0;
	v0 =	vsel @!p1 vm0, $0x40000000, v1  }
0x86: {  	[tilespmem:$0xFA80] =	vst @!p1 v0;
	v0 =	vsel @!p1 vm0, $0x40000000, v2  }
0x87: {  	s30 =	sadd.s32 $0xF800, s14;
	[tilespmem:$0xFB00] =	vst @!p1 v0;
	v0 =	vsel @!p1 vm0, $0x40000000, v3  }
0x88: {  	s15 =	sadd.s32 $0x3, s15;
	s31 =	sadd.s32 s18, s5;
	[tilespmem:$0xFB80] =	vst @!p1 v0;
	p1 =	sgt.u32 s12, $0x3C  }
0x89: {  	[hbm4b:s31+s2] =	stream.linear.scatter [tilespmem:s30], [sflag:s15], $0x7C00, $0x38;
	[tilespmem:$0x1F000] =	vst v63  }
0x8a: {  	s12 =	sadd.s32 $0x1, s12;
	s15 =	sadd.s32 @!p1 s18, s6;
	s16 =	simm.s32 @!p1 $0x0  }
0x8b: {  	[tilespmem:s14], [sflag:s13] =	stream.linear.gather @!p1 [hbm4b:s15+s16], $0x7C00, $0x38;
	[tilespmem:$0x1F000] =	vst v63  }
0x8c: {  	p1 =	sne.s32 s12, $0x3F  }
.Ltmp1:
0x8d: {  	_ = 	snop;
	(pc) =	sbr.rel @p1 .LBB2_2-.Ltmp1, $1  }
0x8e: {  	_ =	sdelay $0x3  }
0x8f: {  	s11 =	sadd.s32 $0x1, s11  }
0x90: {  	_ =	swait.ge [sflag:s9], $0x7C00;
	p1 =	sne.s32 s11, s7  }
.Ltmp2:
0x91: {  	[sflag:s9] =	ssyncset.done $0x0;
	(pc) =	sbr.rel @p1 .LBB2_1-.Ltmp2, $4  }
0x92: {  	[sflag:s9] =	ssyncadd.s32 $0xFFFF8400  }
0x93: {  	_ =	swait.ge [sflag:s10], $0x7C00  }
0x94: {  	[sflag:s10] =	ssyncset.done $0x0  }
0x95: {  	[sflag:s10] =	ssyncadd.s32 $0xFFFF8400  }
0x96: {  	_ =	sfence.sel $0x180000  }
0x97: {  	[bflag:$0x0] =	sbarrier.arrive $0xFFFF  }
0x98: {  	p0 =	sne.s32 s0, $0x0;
	_ =	strace $0x90000047  }
0x99: {  	s0 =	sadd.s32 @!p0 $0x100000, s1;
	[bflag:$0x2] =	sbarrier.arrive $0xFFFF  }
0x9a: {  	[sflag:s0] =	ssyncadd.tile.s32 @!p0 $0x1;
	_ =	shalt  }
.Lfunc_end2:
_tile_overlayer_lowered:
.L_overlay_start_2:
0x9b: {  	(tag) =	ssettag $0x2  }
0x9c: {  	s0 =	rddreg [dreg:$0x0];
	s2 =	stileid.u32  }
0x9d: {  	s1 =	rddreg [dreg:$0x1];
	p0 =	sne.s32 s2, $0x0  }
0x9e: {  	s3 =	rddreg [dreg:$0x2];
	[bflag:$0x3] =	sbarrier.arrive $0xFFFF;
	s2 =	simm.s32 @!p0 $0x1C05  }
0x9f: {  	[timem:s3], [sflag:s2] =	dma.local @!p0 [hbm:s0], s1  }
0xa0: {  	s0 =	simm.s32 @!p0 $0x5  }
0xa1: {  	_ =	swait.ge @!p0 [sflag:s0], s1  }
0xa2: {  	s1 =	ssub.s32 @!p0 $0x0, s1;
	[sflag:s0] =	ssyncset.done @!p0 $0x0  }
0xa3: {  	[sflag:s0] =	ssyncadd.s32 @!p0 s1  }
0xa4: {  	[bflag:$0x3] =	sbarrier.arrive $0xFFFF  }
0xa5: {  	_ =	shalt  }

</sc_bundles>
